<compile_context>
chip_gen: v7x
topology: tpu7x:2x2x1
jax: 0.10.2.dev20260603
libtpu: 0.0.44.dev20260713+nightly
codegen_flags: <defaults>
</compile_context>

<pallas_src>
import functools

import jax
import jax.numpy as jnp
from jax import lax
from jax.experimental import pallas as pl
from jax.experimental.pallas import tpu as pltpu
from jax.experimental.pallas import tpu_sc as plsc

NC = 2
NS = 16
L = 16
NW = NC * NS


def _build(n_total, d_pad, n_chunks, interpret=False):
    per_w = n_total // NW
    chunk = per_w // n_chunks
    assert per_w * NW == n_total and chunk * n_chunks == per_w
    assert chunk % L == 0
    mesh = plsc.VectorSubcoreMesh(core_axis_name="c", subcore_axis_name="s")

    @functools.partial(
        pl.kernel,
        out_type=jax.ShapeDtypeStruct((n_total,), jnp.float32),
        mesh=mesh,
        scratch_types=[
            pltpu.VMEM((d_pad * L,), jnp.float32),
            pltpu.VMEM((d_pad,), jnp.float32),
            pltpu.VMEM((chunk,), jnp.int32),
            pltpu.VMEM((chunk,), jnp.int32),
            pltpu.VMEM((chunk,), jnp.float32),
            pltpu.VMEM((chunk,), jnp.float32),
            pltpu.SemaphoreType.DMA,
            pltpu.SemaphoreType.DMA,
            pltpu.SemaphoreType.DMA,
            pltpu.SemaphoreType.DMA,
        ],
        compiler_params=pltpu.CompilerParams(needs_layout_passes=False),
        interpret=interpret,
    )
    def emb_kernel(x_hbm, emb_hbm, w_hbm, out_hbm, emb_v, w_v,
                   idx0, idx1, out0, out1, sin0, sin1, sout0, sout1):
        wid = lax.axis_index("s") * NC + lax.axis_index("c")
        base = wid * per_w
        idx_bufs, out_bufs = (idx0, idx1), (out0, out1)
        sin, sout = (sin0, sin1), (sout0, sout1)

        in_copies = [None] * n_chunks
        out_copies = [None] * n_chunks
        in_copies[0] = pltpu.async_copy(
            x_hbm.at[pl.ds(base, chunk)], idx0, sin0)

        pltpu.sync_copy(emb_hbm, emb_v)
        pltpu.sync_copy(w_hbm, w_v)

        def dot_body(j, acc):
            wv = w_v[pl.ds(j * L, L)]
            for k in range(L):
                e = emb_v[pl.ds(j * L * L + k * L, L)]
                acc = acc + jnp.maximum(e, 0.0) * wv[k]
            return acc

        s_vec = lax.fori_loop(
            0, d_pad // L, dot_body, jnp.zeros((L,), jnp.float32))

        for c in range(n_chunks):
            if c + 1 < n_chunks:
                in_copies[c + 1] = pltpu.async_copy(
                    x_hbm.at[pl.ds(base + (c + 1) * chunk, chunk)],
                    idx_bufs[(c + 1) % 2], sin[(c + 1) % 2])
            in_copies[c].wait()
            if c >= 2:
                out_copies[c - 2].wait()
            ib, ob = idx_bufs[c % 2], out_bufs[c % 2]

            @plsc.parallel_loop(0, chunk // L, unroll=16)
            def _gather(i, ib=ib, ob=ob):
                idx = ib[pl.ds(i * L, L)]
                ob[pl.ds(i * L, L)] = s_vec.at[idx].get(
                    mode="promise_in_bounds")
            out_copies[c] = pltpu.async_copy(
                ob, out_hbm.at[pl.ds(base + c * chunk, chunk)], sout[c % 2])
        out_copies[n_chunks - 2].wait()
        out_copies[n_chunks - 1].wait()

    return emb_kernel


def kernel(X, emb_table, lin1_w, lin1_b):
    b, l = X.shape
    vocab, d = emb_table.shape
    n_total = b * l
    d_pad = ((d + 1 + L - 1) // L) * L
    emb_t = jnp.pad(
        jnp.concatenate(
            [emb_table.astype(jnp.float32).T,
             jnp.ones((1, vocab), jnp.float32)], axis=0),
        ((0, d_pad - d - 1), (0, L - vocab)))
    w_pad = jnp.pad(
        jnp.concatenate([lin1_w[0].astype(jnp.float32),
                         lin1_b.astype(jnp.float32)]),
        (0, d_pad - d - 1))

    i1, i2 = b // 128, 128
    j1, j2 = l // 8, 8
    x_flat = (X.astype(jnp.int32)
              .reshape(i1, i2, j1, j2).transpose(2, 0, 3, 1).reshape(-1))
    fn = _build(n_total, d_pad, n_chunks=5)
    out = fn(x_flat, emb_t.reshape(-1), w_pad)
    return out.reshape(j1, i1, j2, i2).transpose(1, 3, 0, 2).reshape(b, l)

# --- scband reference (transcript-rebuilt; emitter-appended) ---
"""Pipeline reference for scband-emb-model-49082886258958 (READ-ONLY COPY).

The authoritative reference and input builder live on the scoring server;
editing this copy changes nothing except your own understanding.
"""

import jax, jax.numpy as jnp
import numpy as np


def setup_inputs(seed: int = 0) -> dict:
    key = jax.random.key(seed)
    k1, k2, k3, k4 = jax.random.split(key, 4)
    X = jax.random.randint(k1, (16384, 200), 0, 10, dtype=jnp.int64 if jax.config.jax_enable_x64 else jnp.int32)
    emb_table = jax.random.normal(k2, (10, 300), dtype=jnp.float32)
    lin1_w = jax.random.normal(k3, (1, 300), dtype=jnp.float32) * (1.0 / np.sqrt(300))
    lin1_b = jax.random.normal(k4, (1,), dtype=jnp.float32) * 0.01
    return {"X": X, "emb_table": emb_table, "lin1_w": lin1_w, "lin1_b": lin1_b}


def reference(X, emb_table, lin1_w, lin1_b):
    # nn.Embedding lookup -> gather rows
    h = jnp.take(emb_table, X, axis=0)           # [B, L, 300]
    h = jax.nn.relu(h)                           # ReLU
    # Dropout in eval mode is identity (reference is deterministic eval).
    out = jnp.einsum('bld,od->blo', h, lin1_w) + lin1_b  # Linear(300 -> 1)
    out = jnp.squeeze(out, axis=-1)              # squeeze(-1) -> [B, L]
    return out

if __name__ == "__main__":
    import jax
    _d = setup_inputs()
    print(jax.jit(kernel)(*tuple(_d.values())))

</pallas_src>

<mosaic_0001>
#map = affine_map<(d0, d1) -> (0)>
module attributes {stable_mosaic.version = 14 : i64} {
  func.func @emb_kernel(%arg0: i32, %arg1: i32, %arg2: memref<3276800xi32, #tpu.memory_space<hbm>>, %arg3: memref<4864xf32, #tpu.memory_space<hbm>>, %arg4: memref<304xf32, #tpu.memory_space<hbm>>, %arg5: memref<3276800xf32, #tpu.memory_space<hbm>>, %arg6: memref<4864xf32, #tpu.memory_space<vmem>>, %arg7: memref<304xf32, #tpu.memory_space<vmem>>, %arg8: memref<20480xi32, #tpu.memory_space<vmem>>, %arg9: memref<20480xi32, #tpu.memory_space<vmem>>, %arg10: memref<20480xf32, #tpu.memory_space<vmem>>, %arg11: memref<20480xf32, #tpu.memory_space<vmem>>, %arg12: memref<!tpu.dma_semaphore, #tpu.memory_space<semaphore_mem>>, %arg13: memref<!tpu.dma_semaphore, #tpu.memory_space<semaphore_mem>>, %arg14: memref<!tpu.dma_semaphore, #tpu.memory_space<semaphore_mem>>, %arg15: memref<!tpu.dma_semaphore, #tpu.memory_space<semaphore_mem>>) attributes {dimension_semantics = [#tpu.dimension_semantics<core_parallel>, #tpu.dimension_semantics<subcore_parallel>], iteration_bounds = array<i64: 2, 16>, scalar_prefetch = 0 : i64, scratch_operands = 10 : i64, tpu.core_type = #tpu.core_type<sc_vector_subcore>, window_params = [{transform_indices = #map}, {transform_indices = #map}, {transform_indices = #map}, {transform_indices = #map}]} {
    %mul3A = arith.constant 2 : i32
    %mul3A_0 = arith.muli %arg1, %mul3A : i32
    %add3A = arith.addi %mul3A_0, %arg0 : i32
    %mul3A_1 = arith.constant 102400 : i32
    %mul3A_2 = arith.muli %add3A, %mul3A_1 : i32
    %dma_start3A = tpu.memref_slice %arg2[%mul3A_2] : memref<3276800xi32, #tpu.memory_space<hbm>> -> memref<20480xi32, #tpu.memory_space<hbm>>
    %dma_start3A_3 = tpu.memref_slice %arg2[%mul3A_2] : memref<3276800xi32, #tpu.memory_space<hbm>> -> memref<20480xi32, #tpu.memory_space<hbm>>
    tpu.enqueue_dma source(%dma_start3A_3 : memref<20480xi32, #tpu.memory_space<hbm>>) target(%arg8 : memref<20480xi32, #tpu.memory_space<vmem>>) target_semaphore(%arg12 : memref<!tpu.dma_semaphore, #tpu.memory_space<semaphore_mem>>)
    "tpu.region"() ({
      %run_scoped3A = tpu.sem_alloc : memref<!tpu.dma_semaphore, #tpu.memory_space<semaphore_mem>>
      tpu.enqueue_dma source(%arg3 : memref<4864xf32, #tpu.memory_space<hbm>>) target(%arg6 : memref<4864xf32, #tpu.memory_space<vmem>>) target_semaphore(%run_scoped3A : memref<!tpu.dma_semaphore, #tpu.memory_space<semaphore_mem>>)
      tpu.wait_dma2 semaphore(%run_scoped3A : memref<!tpu.dma_semaphore, #tpu.memory_space<semaphore_mem>>) src(%arg3 : memref<4864xf32, #tpu.memory_space<hbm>>) dst(%arg6 : memref<4864xf32, #tpu.memory_space<vmem>>)
      tpu.yield
    }) : () -> ()
    "tpu.region"() ({
      %run_scoped3A = tpu.sem_alloc : memref<!tpu.dma_semaphore, #tpu.memory_space<semaphore_mem>>
      tpu.enqueue_dma source(%arg4 : memref<304xf32, #tpu.memory_space<hbm>>) target(%arg7 : memref<304xf32, #tpu.memory_space<vmem>>) target_semaphore(%run_scoped3A : memref<!tpu.dma_semaphore, #tpu.memory_space<semaphore_mem>>)
      tpu.wait_dma2 semaphore(%run_scoped3A : memref<!tpu.dma_semaphore, #tpu.memory_space<semaphore_mem>>) src(%arg4 : memref<304xf32, #tpu.memory_space<hbm>>) dst(%arg7 : memref<304xf32, #tpu.memory_space<vmem>>)
      tpu.yield
    }) : () -> ()
    %broadcast_in_dim3A = arith.constant 0.000000e+00 : f32
    %broadcast_in_dim3A_4 = vector.broadcast %broadcast_in_dim3A : f32 to vector<16xf32>
    %scan3A = arith.constant 0 : i32
    %scan3A_5 = arith.constant 19 : i32
    %scan3A_6 = arith.addi %scan3A, %scan3A_5 : i32
    %scan3A_7 = arith.constant 1 : i32
    %scan3A_8 = scf.for %scan3A_79 = %scan3A to %scan3A_6 step %scan3A_7 iter_args(%scan3A_80 = %broadcast_in_dim3A_4) -> (vector<16xf32>)  : i32 {
      %mul3A_81 = arith.constant 16 : i32
      %mul3A_82 = arith.muli %scan3A_79, %mul3A_81 : i32
      %get3A = arith.index_cast %mul3A_82 : i32 to index
      %get3A_83 = tpu.vector_load %arg7[%get3A] {strides = array<i32>} : memref<304xf32, #tpu.memory_space<vmem>>, vector<16xf32>,
      %mul3A_84 = arith.constant 16 : i32
      %mul3A_85 = arith.muli %scan3A_79, %mul3A_84 : i32
      %mul3A_86 = arith.constant 16 : i32
      %mul3A_87 = arith.muli %mul3A_85, %mul3A_86 : i32
      %add3A_88 = arith.constant 0 : i32
      %add3A_89 = arith.addi %mul3A_87, %add3A_88 : i32
      %get3A_90 = arith.index_cast %add3A_89 : i32 to index
      %get3A_91 = tpu.vector_load %arg6[%get3A_90] {strides = array<i32>} : memref<4864xf32, #tpu.memory_space<vmem>>, vector<16xf32>,
      %max3A = arith.constant 0.000000e+00 : f32
      %max3A_92 = vector.broadcast %max3A : f32 to vector<16xf32>
      %max3A_93 = arith.maximumf %get3A_91, %max3A_92 : vector<16xf32>
      %slice3A = vector.extract_strided_slice %get3A_83 {offsets = [0], sizes = [1], strides = [1]} : vector<16xf32> to vector<1xf32>
      %squeeze3A = vector.extract %slice3A[0] : f32 from vector<1xf32>
      %mul3A_94 = vector.broadcast %squeeze3A : f32 to vector<16xf32>
      %mul3A_95 = arith.mulf %max3A_93, %mul3A_94 : vector<16xf32>
      %add3A_96 = arith.addf %scan3A_80, %mul3A_95 : vector<16xf32>
      %mul3A_97 = arith.constant 16 : i32
      %mul3A_98 = arith.muli %scan3A_79, %mul3A_97 : i32
      %mul3A_99 = arith.constant 16 : i32
      %mul3A_100 = arith.muli %mul3A_98, %mul3A_99 : i32
      %add3A_101 = arith.constant 16 : i32
      %add3A_102 = arith.addi %mul3A_100, %add3A_101 : i32
      %get3A_103 = arith.index_cast %add3A_102 : i32 to index
      %get3A_104 = tpu.vector_load %arg6[%get3A_103] {strides = array<i32>} : memref<4864xf32, #tpu.memory_space<vmem>>, vector<16xf32>,
      %max3A_105 = arith.constant 0.000000e+00 : f32
      %max3A_106 = vector.broadcast %max3A_105 : f32 to vector<16xf32>
      %max3A_107 = arith.maximumf %get3A_104, %max3A_106 : vector<16xf32>
      %slice3A_108 = vector.extract_strided_slice %get3A_83 {offsets = [1], sizes = [1], strides = [1]} : vector<16xf32> to vector<1xf32>
      %squeeze3A_109 = vector.extract %slice3A_108[0] : f32 from vector<1xf32>
      %mul3A_110 = vector.broadcast %squeeze3A_109 : f32 to vector<16xf32>
      %mul3A_111 = arith.mulf %max3A_107, %mul3A_110 : vector<16xf32>
      %add3A_112 = arith.addf %add3A_96, %mul3A_111 : vector<16xf32>
      %mul3A_113 = arith.constant 16 : i32
      %mul3A_114 = arith.muli %scan3A_79, %mul3A_113 : i32
      %mul3A_115 = arith.constant 16 : i32
      %mul3A_116 = arith.muli %mul3A_114, %mul3A_115 : i32
      %add3A_117 = arith.constant 32 : i32
      %add3A_118 = arith.addi %mul3A_116, %add3A_117 : i32
      %get3A_119 = arith.index_cast %add3A_118 : i32 to index
      %get3A_120 = tpu.vector_load %arg6[%get3A_119] {strides = array<i32>} : memref<4864xf32, #tpu.memory_space<vmem>>, vector<16xf32>,
      %max3A_121 = arith.constant 0.000000e+00 : f32
      %max3A_122 = vector.broadcast %max3A_121 : f32 to vector<16xf32>
      %max3A_123 = arith.maximumf %get3A_120, %max3A_122 : vector<16xf32>
      %slice3A_124 = vector.extract_strided_slice %get3A_83 {offsets = [2], sizes = [1], strides = [1]} : vector<16xf32> to vector<1xf32>
      %squeeze3A_125 = vector.extract %slice3A_124[0] : f32 from vector<1xf32>
      %mul3A_126 = vector.broadcast %squeeze3A_125 : f32 to vector<16xf32>
      %mul3A_127 = arith.mulf %max3A_123, %mul3A_126 : vector<16xf32>
      %add3A_128 = arith.addf %add3A_112, %mul3A_127 : vector<16xf32>
      %mul3A_129 = arith.constant 16 : i32
      %mul3A_130 = arith.muli %scan3A_79, %mul3A_129 : i32
      %mul3A_131 = arith.constant 16 : i32
      %mul3A_132 = arith.muli %mul3A_130, %mul3A_131 : i32
      %add3A_133 = arith.constant 48 : i32
      %add3A_134 = arith.addi %mul3A_132, %add3A_133 : i32
      %get3A_135 = arith.index_cast %add3A_134 : i32 to index
      %get3A_136 = tpu.vector_load %arg6[%get3A_135] {strides = array<i32>} : memref<4864xf32, #tpu.memory_space<vmem>>, vector<16xf32>,
      %max3A_137 = arith.constant 0.000000e+00 : f32
      %max3A_138 = vector.broadcast %max3A_137 : f32 to vector<16xf32>
      %max3A_139 = arith.maximumf %get3A_136, %max3A_138 : vector<16xf32>
      %slice3A_140 = vector.extract_strided_slice %get3A_83 {offsets = [3], sizes = [1], strides = [1]} : vector<16xf32> to vector<1xf32>
      %squeeze3A_141 = vector.extract %slice3A_140[0] : f32 from vector<1xf32>
      %mul3A_142 = vector.broadcast %squeeze3A_141 : f32 to vector<16xf32>
      %mul3A_143 = arith.mulf %max3A_139, %mul3A_142 : vector<16xf32>
      %add3A_144 = arith.addf %add3A_128, %mul3A_143 : vector<16xf32>
      %mul3A_145 = arith.constant 16 : i32
      %mul3A_146 = arith.muli %scan3A_79, %mul3A_145 : i32
      %mul3A_147 = arith.constant 16 : i32
      %mul3A_148 = arith.muli %mul3A_146, %mul3A_147 : i32
      %add3A_149 = arith.constant 64 : i32
      %add3A_150 = arith.addi %mul3A_148, %add3A_149 : i32
      %get3A_151 = arith.index_cast %add3A_150 : i32 to index
      %get3A_152 = tpu.vector_load %arg6[%get3A_151] {strides = array<i32>} : memref<4864xf32, #tpu.memory_space<vmem>>, vector<16xf32>,
      %max3A_153 = arith.constant 0.000000e+00 : f32
      %max3A_154 = vector.broadcast %max3A_153 : f32 to vector<16xf32>
      %max3A_155 = arith.maximumf %get3A_152, %max3A_154 : vector<16xf32>
      %slice3A_156 = vector.extract_strided_slice %get3A_83 {offsets = [4], sizes = [1], strides = [1]} : vector<16xf32> to vector<1xf32>
      %squeeze3A_157 = vector.extract %slice3A_156[0] : f32 from vector<1xf32>
      %mul3A_158 = vector.broadcast %squeeze3A_157 : f32 to vector<16xf32>
      %mul3A_159 = arith.mulf %max3A_155, %mul3A_158 : vector<16xf32>
      %add3A_160 = arith.addf %add3A_144, %mul3A_159 : vector<16xf32>
      %mul3A_161 = arith.constant 16 : i32
      %mul3A_162 = arith.muli %scan3A_79, %mul3A_161 : i32
      %mul3A_163 = arith.constant 16 : i32
      %mul3A_164 = arith.muli %mul3A_162, %mul3A_163 : i32
      %add3A_165 = arith.constant 80 : i32
      %add3A_166 = arith.addi %mul3A_164, %add3A_165 : i32
      %get3A_167 = arith.index_cast %add3A_166 : i32 to index
      %get3A_168 = tpu.vector_load %arg6[%get3A_167] {strides = array<i32>} : memref<4864xf32, #tpu.memory_space<vmem>>, vector<16xf32>,
      %max3A_169 = arith.constant 0.000000e+00 : f32
      %max3A_170 = vector.broadcast %max3A_169 : f32 to vector<16xf32>
      %max3A_171 = arith.maximumf %get3A_168, %max3A_170 : vector<16xf32>
      %slice3A_172 = vector.extract_strided_slice %get3A_83 {offsets = [5], sizes = [1], strides = [1]} : vector<16xf32> to vector<1xf32>
      %squeeze3A_173 = vector.extract %slice3A_172[0] : f32 from vector<1xf32>
      %mul3A_174 = vector.broadcast %squeeze3A_173 : f32 to vector<16xf32>
      %mul3A_175 = arith.mulf %max3A_171, %mul3A_174 : vector<16xf32>
      %add3A_176 = arith.addf %add3A_160, %mul3A_175 : vector<16xf32>
      %mul3A_177 = arith.constant 16 : i32
      %mul3A_178 = arith.muli %scan3A_79, %mul3A_177 : i32
      %mul3A_179 = arith.constant 16 : i32
      %mul3A_180 = arith.muli %mul3A_178, %mul3A_179 : i32
      %add3A_181 = arith.constant 96 : i32
      %add3A_182 = arith.addi %mul3A_180, %add3A_181 : i32
      %get3A_183 = arith.index_cast %add3A_182 : i32 to index
      %get3A_184 = tpu.vector_load %arg6[%get3A_183] {strides = array<i32>} : memref<4864xf32, #tpu.memory_space<vmem>>, vector<16xf32>,
      %max3A_185 = arith.constant 0.000000e+00 : f32
      %max3A_186 = vector.broadcast %max3A_185 : f32 to vector<16xf32>
      %max3A_187 = arith.maximumf %get3A_184, %max3A_186 : vector<16xf32>
      %slice3A_188 = vector.extract_strided_slice %get3A_83 {offsets = [6], sizes = [1], strides = [1]} : vector<16xf32> to vector<1xf32>
      %squeeze3A_189 = vector.extract %slice3A_188[0] : f32 from vector<1xf32>
      %mul3A_190 = vector.broadcast %squeeze3A_189 : f32 to vector<16xf32>
      %mul3A_191 = arith.mulf %max3A_187, %mul3A_190 : vector<16xf32>
      %add3A_192 = arith.addf %add3A_176, %mul3A_191 : vector<16xf32>
      %mul3A_193 = arith.constant 16 : i32
      %mul3A_194 = arith.muli %scan3A_79, %mul3A_193 : i32
      %mul3A_195 = arith.constant 16 : i32
      %mul3A_196 = arith.muli %mul3A_194, %mul3A_195 : i32
      %add3A_197 = arith.constant 112 : i32
      %add3A_198 = arith.addi %mul3A_196, %add3A_197 : i32
      %get3A_199 = arith.index_cast %add3A_198 : i32 to index
      %get3A_200 = tpu.vector_load %arg6[%get3A_199] {strides = array<i32>} : memref<4864xf32, #tpu.memory_space<vmem>>, vector<16xf32>,
      %max3A_201 = arith.constant 0.000000e+00 : f32
      %max3A_202 = vector.broadcast %max3A_201 : f32 to vector<16xf32>
      %max3A_203 = arith.maximumf %get3A_200, %max3A_202 : vector<16xf32>
      %slice3A_204 = vector.extract_strided_slice %get3A_83 {offsets = [7], sizes = [1], strides = [1]} : vector<16xf32> to vector<1xf32>
      %squeeze3A_205 = vector.extract %slice3A_204[0] : f32 from vector<1xf32>
      %mul3A_206 = vector.broadcast %squeeze3A_205 : f32 to vector<16xf32>
      %mul3A_207 = arith.mulf %max3A_203, %mul3A_206 : vector<16xf32>
      %add3A_208 = arith.addf %add3A_192, %mul3A_207 : vector<16xf32>
      %mul3A_209 = arith.constant 16 : i32
      %mul3A_210 = arith.muli %scan3A_79, %mul3A_209 : i32
      %mul3A_211 = arith.constant 16 : i32
      %mul3A_212 = arith.muli %mul3A_210, %mul3A_211 : i32
      %add3A_213 = arith.constant 128 : i32
      %add3A_214 = arith.addi %mul3A_212, %add3A_213 : i32
      %get3A_215 = arith.index_cast %add3A_214 : i32 to index
      %get3A_216 = tpu.vector_load %arg6[%get3A_215] {strides = array<i32>} : memref<4864xf32, #tpu.memory_space<vmem>>, vector<16xf32>,
      %max3A_217 = arith.constant 0.000000e+00 : f32
      %max3A_218 = vector.broadcast %max3A_217 : f32 to vector<16xf32>
      %max3A_219 = arith.maximumf %get3A_216, %max3A_218 : vector<16xf32>
      %slice3A_220 = vector.extract_strided_slice %get3A_83 {offsets = [8], sizes = [1], strides = [1]} : vector<16xf32> to vector<1xf32>
      %squeeze3A_221 = vector.extract %slice3A_220[0] : f32 from vector<1xf32>
      %mul3A_222 = vector.broadcast %squeeze3A_221 : f32 to vector<16xf32>
      %mul3A_223 = arith.mulf %max3A_219, %mul3A_222 : vector<16xf32>
      %add3A_224 = arith.addf %add3A_208, %mul3A_223 : vector<16xf32>
      %mul3A_225 = arith.constant 16 : i32
      %mul3A_226 = arith.muli %scan3A_79, %mul3A_225 : i32
      %mul3A_227 = arith.constant 16 : i32
      %mul3A_228 = arith.muli %mul3A_226, %mul3A_227 : i32
      %add3A_229 = arith.constant 144 : i32
      %add3A_230 = arith.addi %mul3A_228, %add3A_229 : i32
      %get3A_231 = arith.index_cast %add3A_230 : i32 to index
      %get3A_232 = tpu.vector_load %arg6[%get3A_231] {strides = array<i32>} : memref<4864xf32, #tpu.memory_space<vmem>>, vector<16xf32>,
      %max3A_233 = arith.constant 0.000000e+00 : f32
      %max3A_234 = vector.broadcast %max3A_233 : f32 to vector<16xf32>
      %max3A_235 = arith.maximumf %get3A_232, %max3A_234 : vector<16xf32>
      %slice3A_236 = vector.extract_strided_slice %get3A_83 {offsets = [9], sizes = [1], strides = [1]} : vector<16xf32> to vector<1xf32>
      %squeeze3A_237 = vector.extract %slice3A_236[0] : f32 from vector<1xf32>
      %mul3A_238 = vector.broadcast %squeeze3A_237 : f32 to vector<16xf32>
      %mul3A_239 = arith.mulf %max3A_235, %mul3A_238 : vector<16xf32>
      %add3A_240 = arith.addf %add3A_224, %mul3A_239 : vector<16xf32>
      %mul3A_241 = arith.constant 16 : i32
      %mul3A_242 = arith.muli %scan3A_79, %mul3A_241 : i32
      %mul3A_243 = arith.constant 16 : i32
      %mul3A_244 = arith.muli %mul3A_242, %mul3A_243 : i32
      %add3A_245 = arith.constant 160 : i32
      %add3A_246 = arith.addi %mul3A_244, %add3A_245 : i32
      %get3A_247 = arith.index_cast %add3A_246 : i32 to index
      %get3A_248 = tpu.vector_load %arg6[%get3A_247] {strides = array<i32>} : memref<4864xf32, #tpu.memory_space<vmem>>, vector<16xf32>,
      %max3A_249 = arith.constant 0.000000e+00 : f32
      %max3A_250 = vector.broadcast %max3A_249 : f32 to vector<16xf32>
      %max3A_251 = arith.maximumf %get3A_248, %max3A_250 : vector<16xf32>
      %slice3A_252 = vector.extract_strided_slice %get3A_83 {offsets = [10], sizes = [1], strides = [1]} : vector<16xf32> to vector<1xf32>
      %squeeze3A_253 = vector.extract %slice3A_252[0] : f32 from vector<1xf32>
      %mul3A_254 = vector.broadcast %squeeze3A_253 : f32 to vector<16xf32>
      %mul3A_255 = arith.mulf %max3A_251, %mul3A_254 : vector<16xf32>
      %add3A_256 = arith.addf %add3A_240, %mul3A_255 : vector<16xf32>
      %mul3A_257 = arith.constant 16 : i32
      %mul3A_258 = arith.muli %scan3A_79, %mul3A_257 : i32
      %mul3A_259 = arith.constant 16 : i32
      %mul3A_260 = arith.muli %mul3A_258, %mul3A_259 : i32
      %add3A_261 = arith.constant 176 : i32
      %add3A_262 = arith.addi %mul3A_260, %add3A_261 : i32
      %get3A_263 = arith.index_cast %add3A_262 : i32 to index
      %get3A_264 = tpu.vector_load %arg6[%get3A_263] {strides = array<i32>} : memref<4864xf32, #tpu.memory_space<vmem>>, vector<16xf32>,
      %max3A_265 = arith.constant 0.000000e+00 : f32
      %max3A_266 = vector.broadcast %max3A_265 : f32 to vector<16xf32>
      %max3A_267 = arith.maximumf %get3A_264, %max3A_266 : vector<16xf32>
      %slice3A_268 = vector.extract_strided_slice %get3A_83 {offsets = [11], sizes = [1], strides = [1]} : vector<16xf32> to vector<1xf32>
      %squeeze3A_269 = vector.extract %slice3A_268[0] : f32 from vector<1xf32>
      %mul3A_270 = vector.broadcast %squeeze3A_269 : f32 to vector<16xf32>
      %mul3A_271 = arith.mulf %max3A_267, %mul3A_270 : vector<16xf32>
      %add3A_272 = arith.addf %add3A_256, %mul3A_271 : vector<16xf32>
      %mul3A_273 = arith.constant 16 : i32
      %mul3A_274 = arith.muli %scan3A_79, %mul3A_273 : i32
      %mul3A_275 = arith.constant 16 : i32
      %mul3A_276 = arith.muli %mul3A_274, %mul3A_275 : i32
      %add3A_277 = arith.constant 192 : i32
      %add3A_278 = arith.addi %mul3A_276, %add3A_277 : i32
      %get3A_279 = arith.index_cast %add3A_278 : i32 to index
      %get3A_280 = tpu.vector_load %arg6[%get3A_279] {strides = array<i32>} : memref<4864xf32, #tpu.memory_space<vmem>>, vector<16xf32>,
      %max3A_281 = arith.constant 0.000000e+00 : f32
      %max3A_282 = vector.broadcast %max3A_281 : f32 to vector<16xf32>
      %max3A_283 = arith.maximumf %get3A_280, %max3A_282 : vector<16xf32>
      %slice3A_284 = vector.extract_strided_slice %get3A_83 {offsets = [12], sizes = [1], strides = [1]} : vector<16xf32> to vector<1xf32>
      %squeeze3A_285 = vector.extract %slice3A_284[0] : f32 from vector<1xf32>
      %mul3A_286 = vector.broadcast %squeeze3A_285 : f32 to vector<16xf32>
      %mul3A_287 = arith.mulf %max3A_283, %mul3A_286 : vector<16xf32>
      %add3A_288 = arith.addf %add3A_272, %mul3A_287 : vector<16xf32>
      %mul3A_289 = arith.constant 16 : i32
      %mul3A_290 = arith.muli %scan3A_79, %mul3A_289 : i32
      %mul3A_291 = arith.constant 16 : i32
      %mul3A_292 = arith.muli %mul3A_290, %mul3A_291 : i32
      %add3A_293 = arith.constant 208 : i32
      %add3A_294 = arith.addi %mul3A_292, %add3A_293 : i32
      %get3A_295 = arith.index_cast %add3A_294 : i32 to index
      %get3A_296 = tpu.vector_load %arg6[%get3A_295] {strides = array<i32>} : memref<4864xf32, #tpu.memory_space<vmem>>, vector<16xf32>,
      %max3A_297 = arith.constant 0.000000e+00 : f32
      %max3A_298 = vector.broadcast %max3A_297 : f32 to vector<16xf32>
      %max3A_299 = arith.maximumf %get3A_296, %max3A_298 : vector<16xf32>
      %slice3A_300 = vector.extract_strided_slice %get3A_83 {offsets = [13], sizes = [1], strides = [1]} : vector<16xf32> to vector<1xf32>
      %squeeze3A_301 = vector.extract %slice3A_300[0] : f32 from vector<1xf32>
      %mul3A_302 = vector.broadcast %squeeze3A_301 : f32 to vector<16xf32>
      %mul3A_303 = arith.mulf %max3A_299, %mul3A_302 : vector<16xf32>
      %add3A_304 = arith.addf %add3A_288, %mul3A_303 : vector<16xf32>
      %mul3A_305 = arith.constant 16 : i32
      %mul3A_306 = arith.muli %scan3A_79, %mul3A_305 : i32
      %mul3A_307 = arith.constant 16 : i32
      %mul3A_308 = arith.muli %mul3A_306, %mul3A_307 : i32
      %add3A_309 = arith.constant 224 : i32
      %add3A_310 = arith.addi %mul3A_308, %add3A_309 : i32
      %get3A_311 = arith.index_cast %add3A_310 : i32 to index
      %get3A_312 = tpu.vector_load %arg6[%get3A_311] {strides = array<i32>} : memref<4864xf32, #tpu.memory_space<vmem>>, vector<16xf32>,
      %max3A_313 = arith.constant 0.000000e+00 : f32
      %max3A_314 = vector.broadcast %max3A_313 : f32 to vector<16xf32>
      %max3A_315 = arith.maximumf %get3A_312, %max3A_314 : vector<16xf32>
      %slice3A_316 = vector.extract_strided_slice %get3A_83 {offsets = [14], sizes = [1], strides = [1]} : vector<16xf32> to vector<1xf32>
      %squeeze3A_317 = vector.extract %slice3A_316[0] : f32 from vector<1xf32>
      %mul3A_318 = vector.broadcast %squeeze3A_317 : f32 to vector<16xf32>
      %mul3A_319 = arith.mulf %max3A_315, %mul3A_318 : vector<16xf32>
      %add3A_320 = arith.addf %add3A_304, %mul3A_319 : vector<16xf32>
      %mul3A_321 = arith.constant 16 : i32
      %mul3A_322 = arith.muli %scan3A_79, %mul3A_321 : i32
      %mul3A_323 = arith.constant 16 : i32
      %mul3A_324 = arith.muli %mul3A_322, %mul3A_323 : i32
      %add3A_325 = arith.constant 240 : i32
      %add3A_326 = arith.addi %mul3A_324, %add3A_325 : i32
      %get3A_327 = arith.index_cast %add3A_326 : i32 to index
      %get3A_328 = tpu.vector_load %arg6[%get3A_327] {strides = array<i32>} : memref<4864xf32, #tpu.memory_space<vmem>>, vector<16xf32>,
      %max3A_329 = arith.constant 0.000000e+00 : f32
      %max3A_330 = vector.broadcast %max3A_329 : f32 to vector<16xf32>
      %max3A_331 = arith.maximumf %get3A_328, %max3A_330 : vector<16xf32>
      %slice3A_332 = vector.extract_strided_slice %get3A_83 {offsets = [15], sizes = [1], strides = [1]} : vector<16xf32> to vector<1xf32>
      %squeeze3A_333 = vector.extract %slice3A_332[0] : f32 from vector<1xf32>
      %mul3A_334 = vector.broadcast %squeeze3A_333 : f32 to vector<16xf32>
      %mul3A_335 = arith.mulf %max3A_331, %mul3A_334 : vector<16xf32>
      %add3A_336 = arith.addf %add3A_320, %mul3A_335 : vector<16xf32>
      scf.yield %add3A_336 : vector<16xf32>
    }
    %scan3A_9 = arith.constant 19 : i32
    %add3A_10 = arith.constant 20480 : i32
    %add3A_11 = arith.addi %mul3A_2, %add3A_10 : i32
    %dma_start3A_12 = tpu.memref_slice %arg2[%add3A_11] : memref<3276800xi32, #tpu.memory_space<hbm>> -> memref<20480xi32, #tpu.memory_space<hbm>>
    %dma_start3A_13 = tpu.memref_slice %arg2[%add3A_11] : memref<3276800xi32, #tpu.memory_space<hbm>> -> memref<20480xi32, #tpu.memory_space<hbm>>
    tpu.enqueue_dma source(%dma_start3A_13 : memref<20480xi32, #tpu.memory_space<hbm>>) target(%arg9 : memref<20480xi32, #tpu.memory_space<vmem>>) target_semaphore(%arg13 : memref<!tpu.dma_semaphore, #tpu.memory_space<semaphore_mem>>)
    %dma_wait3A = tpu.memref_slice %arg2[%mul3A_2] : memref<3276800xi32, #tpu.memory_space<hbm>> -> memref<20480xi32, #tpu.memory_space<hbm>>
    %dma_wait3A_14 = tpu.memref_slice %arg2[%mul3A_2] : memref<3276800xi32, #tpu.memory_space<hbm>> -> memref<20480xi32, #tpu.memory_space<hbm>>
    tpu.wait_dma2 semaphore(%arg12 : memref<!tpu.dma_semaphore, #tpu.memory_space<semaphore_mem>>) src(%dma_wait3A_14 : memref<20480xi32, #tpu.memory_space<hbm>>) dst(%arg8 : memref<20480xi32, #tpu.memory_space<vmem>>)
    %parallel_loop3A = arith.constant 0 : i32
    %parallel_loop3A_15 = arith.constant 1280 : i32
    %parallel_loop3A_16 = arith.constant 1 : i32
    scf.for %parallel_loop3A_79 = %parallel_loop3A to %parallel_loop3A_15 step %parallel_loop3A_16  : i32 {
      %parallel_loop3A_80 = arith.constant 16 : i32
      %parallel_loop3A_81 = arith.muli %parallel_loop3A_79, %parallel_loop3A_80 : i32
      %parallel_loop3A_82 = arith.index_cast %parallel_loop3A_81 : i32 to index
      %parallel_loop3A_83 = tpu.vector_load %arg8[%parallel_loop3A_82] {strides = array<i32>} : memref<20480xi32, #tpu.memory_space<vmem>>, vector<16xi32>,
      %parallel_loop3A_84 = arith.constant 0 : i32
      %parallel_loop3A_85 = vector.broadcast %parallel_loop3A_84 : i32 to vector<16xi32>
      %parallel_loop3A_86 = arith.cmpi slt, %parallel_loop3A_83, %parallel_loop3A_85 : vector<16xi32>
      %parallel_loop3A_87 = arith.constant 16 : i32
      %parallel_loop3A_88 = vector.broadcast %parallel_loop3A_87 : i32 to vector<16xi32>
      %parallel_loop3A_89 = arith.addi %parallel_loop3A_83, %parallel_loop3A_88 : vector<16xi32>
      %parallel_loop3A_90 = arith.select %parallel_loop3A_86, %parallel_loop3A_89, %parallel_loop3A_83 : vector<16xi1>, vector<16xi32>
      %parallel_loop3A_91 = vector.shape_cast %parallel_loop3A_90 : vector<16xi32> to vector<16x1xi32>
      %parallel_loop3A_92 = vector.shape_cast %parallel_loop3A_91 : vector<16x1xi32> to vector<16xi32>
      %parallel_loop3A_93 = tpu.dynamic_gather %scan3A_8[%parallel_loop3A_92] in [0] : vector<16xf32>, vector<16xi32> -> vector<16xf32>
      %parallel_loop3A_94 = arith.constant 16 : i32
      %parallel_loop3A_95 = arith.muli %parallel_loop3A_79, %parallel_loop3A_94 : i32
      %parallel_loop3A_96 = arith.index_cast %parallel_loop3A_95 : i32 to index
      %parallel_loop3A_97 = tpu.vector_load %arg10[%parallel_loop3A_96] {strides = array<i32>} : memref<20480xf32, #tpu.memory_space<vmem>>, vector<16xf32>,
      tpu.vector_store %arg10[%parallel_loop3A_96], %parallel_loop3A_93 {strides = array<i32>} : memref<20480xf32, #tpu.memory_space<vmem>>, vector<16xf32>,
    } {sc.loop_unroll_factor = 16 : i64, sc.parallel_access}
    %add3A_17 = arith.constant 0 : i32
    %add3A_18 = arith.addi %mul3A_2, %add3A_17 : i32
    %dma_start3A_19 = tpu.memref_slice %arg5[%add3A_18] : memref<3276800xf32, #tpu.memory_space<hbm>> -> memref<20480xf32, #tpu.memory_space<hbm>>
    %dma_start3A_20 = tpu.memref_slice %arg5[%add3A_18] : memref<3276800xf32, #tpu.memory_space<hbm>> -> memref<20480xf32, #tpu.memory_space<hbm>>
    tpu.enqueue_dma source(%arg10 : memref<20480xf32, #tpu.memory_space<vmem>>) target(%dma_start3A_20 : memref<20480xf32, #tpu.memory_space<hbm>>) target_semaphore(%arg14 : memref<!tpu.dma_semaphore, #tpu.memory_space<semaphore_mem>>)
    %add3A_21 = arith.constant 40960 : i32
    %add3A_22 = arith.addi %mul3A_2, %add3A_21 : i32
    %dma_start3A_23 = tpu.memref_slice %arg2[%add3A_22] : memref<3276800xi32, #tpu.memory_space<hbm>> -> memref<20480xi32, #tpu.memory_space<hbm>>
    %dma_start3A_24 = tpu.memref_slice %arg2[%add3A_22] : memref<3276800xi32, #tpu.memory_space<hbm>> -> memref<20480xi32, #tpu.memory_space<hbm>>
    tpu.enqueue_dma source(%dma_start3A_24 : memref<20480xi32, #tpu.memory_space<hbm>>) target(%arg8 : memref<20480xi32, #tpu.memory_space<vmem>>) target_semaphore(%arg12 : memref<!tpu.dma_semaphore, #tpu.memory_space<semaphore_mem>>)
    %dma_wait3A_25 = tpu.memref_slice %arg2[%add3A_11] : memref<3276800xi32, #tpu.memory_space<hbm>> -> memref<20480xi32, #tpu.memory_space<hbm>>
    %dma_wait3A_26 = tpu.memref_slice %arg2[%add3A_11] : memref<3276800xi32, #tpu.memory_space<hbm>> -> memref<20480xi32, #tpu.memory_space<hbm>>
    tpu.wait_dma2 semaphore(%arg13 : memref<!tpu.dma_semaphore, #tpu.memory_space<semaphore_mem>>) src(%dma_wait3A_26 : memref<20480xi32, #tpu.memory_space<hbm>>) dst(%arg9 : memref<20480xi32, #tpu.memory_space<vmem>>)
    %parallel_loop3A_27 = arith.constant 0 : i32
    %parallel_loop3A_28 = arith.constant 1280 : i32
    %parallel_loop3A_29 = arith.constant 1 : i32
    scf.for %parallel_loop3A_79 = %parallel_loop3A_27 to %parallel_loop3A_28 step %parallel_loop3A_29  : i32 {
      %parallel_loop3A_80 = arith.constant 16 : i32
      %parallel_loop3A_81 = arith.muli %parallel_loop3A_79, %parallel_loop3A_80 : i32
      %parallel_loop3A_82 = arith.index_cast %parallel_loop3A_81 : i32 to index
      %parallel_loop3A_83 = tpu.vector_load %arg9[%parallel_loop3A_82] {strides = array<i32>} : memref<20480xi32, #tpu.memory_space<vmem>>, vector<16xi32>,
      %parallel_loop3A_84 = arith.constant 0 : i32
      %parallel_loop3A_85 = vector.broadcast %parallel_loop3A_84 : i32 to vector<16xi32>
      %parallel_loop3A_86 = arith.cmpi slt, %parallel_loop3A_83, %parallel_loop3A_85 : vector<16xi32>
      %parallel_loop3A_87 = arith.constant 16 : i32
      %parallel_loop3A_88 = vector.broadcast %parallel_loop3A_87 : i32 to vector<16xi32>
      %parallel_loop3A_89 = arith.addi %parallel_loop3A_83, %parallel_loop3A_88 : vector<16xi32>
      %parallel_loop3A_90 = arith.select %parallel_loop3A_86, %parallel_loop3A_89, %parallel_loop3A_83 : vector<16xi1>, vector<16xi32>
      %parallel_loop3A_91 = vector.shape_cast %parallel_loop3A_90 : vector<16xi32> to vector<16x1xi32>
      %parallel_loop3A_92 = vector.shape_cast %parallel_loop3A_91 : vector<16x1xi32> to vector<16xi32>
      %parallel_loop3A_93 = tpu.dynamic_gather %scan3A_8[%parallel_loop3A_92] in [0] : vector<16xf32>, vector<16xi32> -> vector<16xf32>
      %parallel_loop3A_94 = arith.constant 16 : i32
      %parallel_loop3A_95 = arith.muli %parallel_loop3A_79, %parallel_loop3A_94 : i32
      %parallel_loop3A_96 = arith.index_cast %parallel_loop3A_95 : i32 to index
      %parallel_loop3A_97 = tpu.vector_load %arg11[%parallel_loop3A_96] {strides = array<i32>} : memref<20480xf32, #tpu.memory_space<vmem>>, vector<16xf32>,
      tpu.vector_store %arg11[%parallel_loop3A_96], %parallel_loop3A_93 {strides = array<i32>} : memref<20480xf32, #tpu.memory_space<vmem>>, vector<16xf32>,
    } {sc.loop_unroll_factor = 16 : i64, sc.parallel_access}
    %add3A_30 = arith.constant 20480 : i32
    %add3A_31 = arith.addi %mul3A_2, %add3A_30 : i32
    %dma_start3A_32 = tpu.memref_slice %arg5[%add3A_31] : memref<3276800xf32, #tpu.memory_space<hbm>> -> memref<20480xf32, #tpu.memory_space<hbm>>
    %dma_start3A_33 = tpu.memref_slice %arg5[%add3A_31] : memref<3276800xf32, #tpu.memory_space<hbm>> -> memref<20480xf32, #tpu.memory_space<hbm>>
    tpu.enqueue_dma source(%arg11 : memref<20480xf32, #tpu.memory_space<vmem>>) target(%dma_start3A_33 : memref<20480xf32, #tpu.memory_space<hbm>>) target_semaphore(%arg15 : memref<!tpu.dma_semaphore, #tpu.memory_space<semaphore_mem>>)
    %add3A_34 = arith.constant 61440 : i32
    %add3A_35 = arith.addi %mul3A_2, %add3A_34 : i32
    %dma_start3A_36 = tpu.memref_slice %arg2[%add3A_35] : memref<3276800xi32, #tpu.memory_space<hbm>> -> memref<20480xi32, #tpu.memory_space<hbm>>
    %dma_start3A_37 = tpu.memref_slice %arg2[%add3A_35] : memref<3276800xi32, #tpu.memory_space<hbm>> -> memref<20480xi32, #tpu.memory_space<hbm>>
    tpu.enqueue_dma source(%dma_start3A_37 : memref<20480xi32, #tpu.memory_space<hbm>>) target(%arg9 : memref<20480xi32, #tpu.memory_space<vmem>>) target_semaphore(%arg13 : memref<!tpu.dma_semaphore, #tpu.memory_space<semaphore_mem>>)
    %dma_wait3A_38 = tpu.memref_slice %arg2[%add3A_22] : memref<3276800xi32, #tpu.memory_space<hbm>> -> memref<20480xi32, #tpu.memory_space<hbm>>
    %dma_wait3A_39 = tpu.memref_slice %arg2[%add3A_22] : memref<3276800xi32, #tpu.memory_space<hbm>> -> memref<20480xi32, #tpu.memory_space<hbm>>
    tpu.wait_dma2 semaphore(%arg12 : memref<!tpu.dma_semaphore, #tpu.memory_space<semaphore_mem>>) src(%dma_wait3A_39 : memref<20480xi32, #tpu.memory_space<hbm>>) dst(%arg8 : memref<20480xi32, #tpu.memory_space<vmem>>)
    %dma_wait3A_40 = tpu.memref_slice %arg5[%add3A_18] : memref<3276800xf32, #tpu.memory_space<hbm>> -> memref<20480xf32, #tpu.memory_space<hbm>>
    %dma_wait3A_41 = tpu.memref_slice %arg5[%add3A_18] : memref<3276800xf32, #tpu.memory_space<hbm>> -> memref<20480xf32, #tpu.memory_space<hbm>>
    tpu.wait_dma2 semaphore(%arg14 : memref<!tpu.dma_semaphore, #tpu.memory_space<semaphore_mem>>) src(%arg10 : memref<20480xf32, #tpu.memory_space<vmem>>) dst(%dma_wait3A_41 : memref<20480xf32, #tpu.memory_space<hbm>>)
    %parallel_loop3A_42 = arith.constant 0 : i32
    %parallel_loop3A_43 = arith.constant 1280 : i32
    %parallel_loop3A_44 = arith.constant 1 : i32
    scf.for %parallel_loop3A_79 = %parallel_loop3A_42 to %parallel_loop3A_43 step %parallel_loop3A_44  : i32 {
      %parallel_loop3A_80 = arith.constant 16 : i32
      %parallel_loop3A_81 = arith.muli %parallel_loop3A_79, %parallel_loop3A_80 : i32
      %parallel_loop3A_82 = arith.index_cast %parallel_loop3A_81 : i32 to index
      %parallel_loop3A_83 = tpu.vector_load %arg8[%parallel_loop3A_82] {strides = array<i32>} : memref<20480xi32, #tpu.memory_space<vmem>>, vector<16xi32>,
      %parallel_loop3A_84 = arith.constant 0 : i32
      %parallel_loop3A_85 = vector.broadcast %parallel_loop3A_84 : i32 to vector<16xi32>
      %parallel_loop3A_86 = arith.cmpi slt, %parallel_loop3A_83, %parallel_loop3A_85 : vector<16xi32>
      %parallel_loop3A_87 = arith.constant 16 : i32
      %parallel_loop3A_88 = vector.broadcast %parallel_loop3A_87 : i32 to vector<16xi32>
      %parallel_loop3A_89 = arith.addi %parallel_loop3A_83, %parallel_loop3A_88 : vector<16xi32>
      %parallel_loop3A_90 = arith.select %parallel_loop3A_86, %parallel_loop3A_89, %parallel_loop3A_83 : vector<16xi1>, vector<16xi32>
      %parallel_loop3A_91 = vector.shape_cast %parallel_loop3A_90 : vector<16xi32> to vector<16x1xi32>
      %parallel_loop3A_92 = vector.shape_cast %parallel_loop3A_91 : vector<16x1xi32> to vector<16xi32>
      %parallel_loop3A_93 = tpu.dynamic_gather %scan3A_8[%parallel_loop3A_92] in [0] : vector<16xf32>, vector<16xi32> -> vector<16xf32>
      %parallel_loop3A_94 = arith.constant 16 : i32
      %parallel_loop3A_95 = arith.muli %parallel_loop3A_79, %parallel_loop3A_94 : i32
      %parallel_loop3A_96 = arith.index_cast %parallel_loop3A_95 : i32 to index
      %parallel_loop3A_97 = tpu.vector_load %arg10[%parallel_loop3A_96] {strides = array<i32>} : memref<20480xf32, #tpu.memory_space<vmem>>, vector<16xf32>,
      tpu.vector_store %arg10[%parallel_loop3A_96], %parallel_loop3A_93 {strides = array<i32>} : memref<20480xf32, #tpu.memory_space<vmem>>, vector<16xf32>,
    } {sc.loop_unroll_factor = 16 : i64, sc.parallel_access}
    %add3A_45 = arith.constant 40960 : i32
    %add3A_46 = arith.addi %mul3A_2, %add3A_45 : i32
    %dma_start3A_47 = tpu.memref_slice %arg5[%add3A_46] : memref<3276800xf32, #tpu.memory_space<hbm>> -> memref<20480xf32, #tpu.memory_space<hbm>>
    %dma_start3A_48 = tpu.memref_slice %arg5[%add3A_46] : memref<3276800xf32, #tpu.memory_space<hbm>> -> memref<20480xf32, #tpu.memory_space<hbm>>
    tpu.enqueue_dma source(%arg10 : memref<20480xf32, #tpu.memory_space<vmem>>) target(%dma_start3A_48 : memref<20480xf32, #tpu.memory_space<hbm>>) target_semaphore(%arg14 : memref<!tpu.dma_semaphore, #tpu.memory_space<semaphore_mem>>)
    %add3A_49 = arith.constant 81920 : i32
    %add3A_50 = arith.addi %mul3A_2, %add3A_49 : i32
    %dma_start3A_51 = tpu.memref_slice %arg2[%add3A_50] : memref<3276800xi32, #tpu.memory_space<hbm>> -> memref<20480xi32, #tpu.memory_space<hbm>>
    %dma_start3A_52 = tpu.memref_slice %arg2[%add3A_50] : memref<3276800xi32, #tpu.memory_space<hbm>> -> memref<20480xi32, #tpu.memory_space<hbm>>
    tpu.enqueue_dma source(%dma_start3A_52 : memref<20480xi32, #tpu.memory_space<hbm>>) target(%arg8 : memref<20480xi32, #tpu.memory_space<vmem>>) target_semaphore(%arg12 : memref<!tpu.dma_semaphore, #tpu.memory_space<semaphore_mem>>)
    %dma_wait3A_53 = tpu.memref_slice %arg2[%add3A_35] : memref<3276800xi32, #tpu.memory_space<hbm>> -> memref<20480xi32, #tpu.memory_space<hbm>>
    %dma_wait3A_54 = tpu.memref_slice %arg2[%add3A_35] : memref<3276800xi32, #tpu.memory_space<hbm>> -> memref<20480xi32, #tpu.memory_space<hbm>>
    tpu.wait_dma2 semaphore(%arg13 : memref<!tpu.dma_semaphore, #tpu.memory_space<semaphore_mem>>) src(%dma_wait3A_54 : memref<20480xi32, #tpu.memory_space<hbm>>) dst(%arg9 : memref<20480xi32, #tpu.memory_space<vmem>>)
    %dma_wait3A_55 = tpu.memref_slice %arg5[%add3A_31] : memref<3276800xf32, #tpu.memory_space<hbm>> -> memref<20480xf32, #tpu.memory_space<hbm>>
    %dma_wait3A_56 = tpu.memref_slice %arg5[%add3A_31] : memref<3276800xf32, #tpu.memory_space<hbm>> -> memref<20480xf32, #tpu.memory_space<hbm>>
    tpu.wait_dma2 semaphore(%arg15 : memref<!tpu.dma_semaphore, #tpu.memory_space<semaphore_mem>>) src(%arg11 : memref<20480xf32, #tpu.memory_space<vmem>>) dst(%dma_wait3A_56 : memref<20480xf32, #tpu.memory_space<hbm>>)
    %parallel_loop3A_57 = arith.constant 0 : i32
    %parallel_loop3A_58 = arith.constant 1280 : i32
    %parallel_loop3A_59 = arith.constant 1 : i32
    scf.for %parallel_loop3A_79 = %parallel_loop3A_57 to %parallel_loop3A_58 step %parallel_loop3A_59  : i32 {
      %parallel_loop3A_80 = arith.constant 16 : i32
      %parallel_loop3A_81 = arith.muli %parallel_loop3A_79, %parallel_loop3A_80 : i32
      %parallel_loop3A_82 = arith.index_cast %parallel_loop3A_81 : i32 to index
      %parallel_loop3A_83 = tpu.vector_load %arg9[%parallel_loop3A_82] {strides = array<i32>} : memref<20480xi32, #tpu.memory_space<vmem>>, vector<16xi32>,
      %parallel_loop3A_84 = arith.constant 0 : i32
      %parallel_loop3A_85 = vector.broadcast %parallel_loop3A_84 : i32 to vector<16xi32>
      %parallel_loop3A_86 = arith.cmpi slt, %parallel_loop3A_83, %parallel_loop3A_85 : vector<16xi32>
      %parallel_loop3A_87 = arith.constant 16 : i32
      %parallel_loop3A_88 = vector.broadcast %parallel_loop3A_87 : i32 to vector<16xi32>
      %parallel_loop3A_89 = arith.addi %parallel_loop3A_83, %parallel_loop3A_88 : vector<16xi32>
      %parallel_loop3A_90 = arith.select %parallel_loop3A_86, %parallel_loop3A_89, %parallel_loop3A_83 : vector<16xi1>, vector<16xi32>
      %parallel_loop3A_91 = vector.shape_cast %parallel_loop3A_90 : vector<16xi32> to vector<16x1xi32>
      %parallel_loop3A_92 = vector.shape_cast %parallel_loop3A_91 : vector<16x1xi32> to vector<16xi32>
      %parallel_loop3A_93 = tpu.dynamic_gather %scan3A_8[%parallel_loop3A_92] in [0] : vector<16xf32>, vector<16xi32> -> vector<16xf32>
      %parallel_loop3A_94 = arith.constant 16 : i32
      %parallel_loop3A_95 = arith.muli %parallel_loop3A_79, %parallel_loop3A_94 : i32
      %parallel_loop3A_96 = arith.index_cast %parallel_loop3A_95 : i32 to index
      %parallel_loop3A_97 = tpu.vector_load %arg11[%parallel_loop3A_96] {strides = array<i32>} : memref<20480xf32, #tpu.memory_space<vmem>>, vector<16xf32>,
      tpu.vector_store %arg11[%parallel_loop3A_96], %parallel_loop3A_93 {strides = array<i32>} : memref<20480xf32, #tpu.memory_space<vmem>>, vector<16xf32>,
    } {sc.loop_unroll_factor = 16 : i64, sc.parallel_access}
    %add3A_60 = arith.constant 61440 : i32
    %add3A_61 = arith.addi %mul3A_2, %add3A_60 : i32
    %dma_start3A_62 = tpu.memref_slice %arg5[%add3A_61] : memref<3276800xf32, #tpu.memory_space<hbm>> -> memref<20480xf32, #tpu.memory_space<hbm>>
    %dma_start3A_63 = tpu.memref_slice %arg5[%add3A_61] : memref<3276800xf32, #tpu.memory_space<hbm>> -> memref<20480xf32, #tpu.memory_space<hbm>>
    tpu.enqueue_dma source(%arg11 : memref<20480xf32, #tpu.memory_space<vmem>>) target(%dma_start3A_63 : memref<20480xf32, #tpu.memory_space<hbm>>) target_semaphore(%arg15 : memref<!tpu.dma_semaphore, #tpu.memory_space<semaphore_mem>>)
    %dma_wait3A_64 = tpu.memref_slice %arg2[%add3A_50] : memref<3276800xi32, #tpu.memory_space<hbm>> -> memref<20480xi32, #tpu.memory_space<hbm>>
    %dma_wait3A_65 = tpu.memref_slice %arg2[%add3A_50] : memref<3276800xi32, #tpu.memory_space<hbm>> -> memref<20480xi32, #tpu.memory_space<hbm>>
    tpu.wait_dma2 semaphore(%arg12 : memref<!tpu.dma_semaphore, #tpu.memory_space<semaphore_mem>>) src(%dma_wait3A_65 : memref<20480xi32, #tpu.memory_space<hbm>>) dst(%arg8 : memref<20480xi32, #tpu.memory_space<vmem>>)
    %dma_wait3A_66 = tpu.memref_slice %arg5[%add3A_46] : memref<3276800xf32, #tpu.memory_space<hbm>> -> memref<20480xf32, #tpu.memory_space<hbm>>
    %dma_wait3A_67 = tpu.memref_slice %arg5[%add3A_46] : memref<3276800xf32, #tpu.memory_space<hbm>> -> memref<20480xf32, #tpu.memory_space<hbm>>
    tpu.wait_dma2 semaphore(%arg14 : memref<!tpu.dma_semaphore, #tpu.memory_space<semaphore_mem>>) src(%arg10 : memref<20480xf32, #tpu.memory_space<vmem>>) dst(%dma_wait3A_67 : memref<20480xf32, #tpu.memory_space<hbm>>)
    %parallel_loop3A_68 = arith.constant 0 : i32
    %parallel_loop3A_69 = arith.constant 1280 : i32
    %parallel_loop3A_70 = arith.constant 1 : i32
    scf.for %parallel_loop3A_79 = %parallel_loop3A_68 to %parallel_loop3A_69 step %parallel_loop3A_70  : i32 {
      %parallel_loop3A_80 = arith.constant 16 : i32
      %parallel_loop3A_81 = arith.muli %parallel_loop3A_79, %parallel_loop3A_80 : i32
      %parallel_loop3A_82 = arith.index_cast %parallel_loop3A_81 : i32 to index
      %parallel_loop3A_83 = tpu.vector_load %arg8[%parallel_loop3A_82] {strides = array<i32>} : memref<20480xi32, #tpu.memory_space<vmem>>, vector<16xi32>,
      %parallel_loop3A_84 = arith.constant 0 : i32
      %parallel_loop3A_85 = vector.broadcast %parallel_loop3A_84 : i32 to vector<16xi32>
      %parallel_loop3A_86 = arith.cmpi slt, %parallel_loop3A_83, %parallel_loop3A_85 : vector<16xi32>
      %parallel_loop3A_87 = arith.constant 16 : i32
      %parallel_loop3A_88 = vector.broadcast %parallel_loop3A_87 : i32 to vector<16xi32>
      %parallel_loop3A_89 = arith.addi %parallel_loop3A_83, %parallel_loop3A_88 : vector<16xi32>
      %parallel_loop3A_90 = arith.select %parallel_loop3A_86, %parallel_loop3A_89, %parallel_loop3A_83 : vector<16xi1>, vector<16xi32>
      %parallel_loop3A_91 = vector.shape_cast %parallel_loop3A_90 : vector<16xi32> to vector<16x1xi32>
      %parallel_loop3A_92 = vector.shape_cast %parallel_loop3A_91 : vector<16x1xi32> to vector<16xi32>
      %parallel_loop3A_93 = tpu.dynamic_gather %scan3A_8[%parallel_loop3A_92] in [0] : vector<16xf32>, vector<16xi32> -> vector<16xf32>
      %parallel_loop3A_94 = arith.constant 16 : i32
      %parallel_loop3A_95 = arith.muli %parallel_loop3A_79, %parallel_loop3A_94 : i32
      %parallel_loop3A_96 = arith.index_cast %parallel_loop3A_95 : i32 to index
      %parallel_loop3A_97 = tpu.vector_load %arg10[%parallel_loop3A_96] {strides = array<i32>} : memref<20480xf32, #tpu.memory_space<vmem>>, vector<16xf32>,
      tpu.vector_store %arg10[%parallel_loop3A_96], %parallel_loop3A_93 {strides = array<i32>} : memref<20480xf32, #tpu.memory_space<vmem>>, vector<16xf32>,
    } {sc.loop_unroll_factor = 16 : i64, sc.parallel_access}
    %add3A_71 = arith.constant 81920 : i32
    %add3A_72 = arith.addi %mul3A_2, %add3A_71 : i32
    %dma_start3A_73 = tpu.memref_slice %arg5[%add3A_72] : memref<3276800xf32, #tpu.memory_space<hbm>> -> memref<20480xf32, #tpu.memory_space<hbm>>
    %dma_start3A_74 = tpu.memref_slice %arg5[%add3A_72] : memref<3276800xf32, #tpu.memory_space<hbm>> -> memref<20480xf32, #tpu.memory_space<hbm>>
    tpu.enqueue_dma source(%arg10 : memref<20480xf32, #tpu.memory_space<vmem>>) target(%dma_start3A_74 : memref<20480xf32, #tpu.memory_space<hbm>>) target_semaphore(%arg14 : memref<!tpu.dma_semaphore, #tpu.memory_space<semaphore_mem>>)
    %dma_wait3A_75 = tpu.memref_slice %arg5[%add3A_61] : memref<3276800xf32, #tpu.memory_space<hbm>> -> memref<20480xf32, #tpu.memory_space<hbm>>
    %dma_wait3A_76 = tpu.memref_slice %arg5[%add3A_61] : memref<3276800xf32, #tpu.memory_space<hbm>> -> memref<20480xf32, #tpu.memory_space<hbm>>
    tpu.wait_dma2 semaphore(%arg15 : memref<!tpu.dma_semaphore, #tpu.memory_space<semaphore_mem>>) src(%arg11 : memref<20480xf32, #tpu.memory_space<vmem>>) dst(%dma_wait3A_76 : memref<20480xf32, #tpu.memory_space<hbm>>)
    %dma_wait3A_77 = tpu.memref_slice %arg5[%add3A_72] : memref<3276800xf32, #tpu.memory_space<hbm>> -> memref<20480xf32, #tpu.memory_space<hbm>>
    %dma_wait3A_78 = tpu.memref_slice %arg5[%add3A_72] : memref<3276800xf32, #tpu.memory_space<hbm>> -> memref<20480xf32, #tpu.memory_space<hbm>>
    tpu.wait_dma2 semaphore(%arg14 : memref<!tpu.dma_semaphore, #tpu.memory_space<semaphore_mem>>) src(%arg10 : memref<20480xf32, #tpu.memory_space<vmem>>) dst(%dma_wait3A_78 : memref<20480xf32, #tpu.memory_space<hbm>>)
    return
  }
}

</mosaic_0001>

<sc_bundles>
// kernel: kernel.3.cloned.1.call-start
scs
__scs_entry_jumppad:
0x0: {  	(pc) =	sbr.rel $0x88, $3  }
0x1: {  	(tag) =	ssettag $0x0;
	lr =	simm.s32 $0x1  }
0x2: {  	[smem:$0x3F9D] =	sst lr;
	_ =	strace $0xD0000000  }
0x3: {  	_ = 	snop  }
0x4: {  	_ = 	snop  }
0x5: {  	_ = 	snop  }
0x6: {  	_ = 	snop  }
0x7: {  	_ = 	snop  }
__scs_overlays_trampoline_lowered:
0x8: {  	[smem:$0x3FAC] =	sst s0  }
0x9: {  	[smem:$0x3FAD] =	sst s1  }
0xa: {  	[smem:$0x3FAE] =	sst s2  }
0xb: {  	[smem:$0x3FAF] =	sst s3  }
0xc: {  	[smem:$0x3FB0] =	sst s4  }
0xd: {  	[smem:$0x3FB1] =	sst s5  }
0xe: {  	[smem:$0x3FB2] =	sst s6  }
0xf: {  	[smem:$0x3FB3] =	sst s7  }
0x10: {  	[smem:$0x3FB4] =	sst s8  }
0x11: {  	[smem:$0x3FB5] =	sst s9;
	s0 =	simm.s32 @!p0 $0x0  }
0x12: {  	s1 =	sld [smem:$0x3F9B];
	s0 =	simm.s32 @p0 $0x1  }
0x13: {  	[smem:$0x3FB6] =	sst s0;
	s0 =	simm.s32 @!p1 $0x0  }
0x14: {  	s2 =	sld [smem:$0x3F9A];
	s0 =	simm.s32 @p1 $0x1  }
0x15: {  	[smem:$0x3FB7] =	sst s0;
	s0 =	simm.s32 @!p2 $0x0  }
0x16: {  	s3 =	sld [smem:$0x3FDB];
	s0 =	simm.s32 @p2 $0x1  }
0x17: {  	s4 =	simm.s32 $0x1BF5;
	[smem:$0x3FB9] =	sst s0  }
0x18: {  	s0 =	sld [smem:$0x3F9C];
	_ =	swait.ge [sflag:s4], $0x0  }
0x19: {  	s7 =	sld [smem:$0x3F9D]  }
0x1a: {  	s8 =	sadd.s32 $0xFFFFE003, lr  }
0x1b: {  	s9 =	sadd.s32 $0xFFFFFEF7, lr;
	s5 =	simm.s32 $0xFFFFFFFF;
	p2 =	slt.u32 s8, $0xFFFFF086  }
0x1c: {  	p1 =	slt.u32 s9, $0xF7A;
	s5 =	simm.s32 @!p2 $0x0  }
0x1d: {  	s5 =	simm.s32 @p1 $0x1;
	p0 =	seq.s32 s7, s2  }
0x1e: {  	s7 =	smul.u32 @!p0 $0xF7A, s2;
	p2 =	seq.s32 @!p0 s5, $0x0  }
0x1f: {  	s9 =	smul.u32 $0xF7A, s1;
	s8 =	simm.s32 @!p0 $0x1BF5;
	p2 =	por !p2, p0  }
0x20: {  	[sflag:s8] =	ssyncset.s32 @!p0 $0xFFFFF086;
	s6 =	sadd.s32 @!p0 s3, s7;
	s7 =	simm.s32 @!p0 $0x108  }
0x21: {  	s3 =	sadd.s32 s3, s9;
	s6 =	sadd.s32 @!p0 $0x88, s6;
	s7 =	simm.s32 @p2 $0x1082  }
0x22: {  	[simem:s7], [sflag:s8] =	dma.local @!p0 [hbm:s6], $0xF7A  }
0x23: {  	s9 =	sor.u32 $0xD0000000, s2;
	s6 =	simm.s32 $0x108;
	_ =	swait.ge @!p0 [sflag:s8], $0x0  }
0x24: {  	s3 =	sadd.s32 $0x88, s3;
	s6 =	simm.s32 @!p1 $0x1082;
	[sflag:s4] =	ssyncset.s32 $0xFFFFF086  }
0x25: {  	[simem:s6], [sflag:s4] =	dma.local [hbm:s3], $0xF7A  }
0x26: {  	[smem:$0x3F9D] =	sst s1;
	(tag) =	ssettag s2;
	_ =	strace s9  }
0x27: {  	s1 =	sld [smem:$0x3FAD]  }
0x28: {  	s2 =	sld [smem:$0x3FAE]  }
0x29: {  	s4 =	sld [smem:$0x3FB0]  }
0x2a: {  	p0 =	seq.s32 s5, $0x0;
	s5 =	sld [smem:$0x3FB1]  }
0x2b: {  	s6 =	sld [smem:$0x3FB2]  }
0x2c: {  	s7 =	sld [smem:$0x3FB3]  }
0x2d: {  	s3 =	simm.s32 $0x108;
	s8 =	sld [smem:$0x3FB4]  }
0x2e: {  	s3 =	simm.s32 @!p0 $0x1082;
	s9 =	sld [smem:$0x3FB5]  }
0x2f: {  	lr =	sadd.s32 s0, s3;
	s0 =	sld [smem:$0x3FAC]  }
0x30: {  	s3 =	sld [smem:$0x3FAF]  }
0x31: {  	[smem:$0x3FB8] =	sst s10  }
0x32: {  	s10 =	sld [smem:$0x3FB6];
	_ =	sdelay $0x3  }
0x33: {  	p0 =	seq.s32 s10, $0x1;
	s10 =	sld [smem:$0x3FB8];
	_ =	sdelay $0x3  }
0x34: {  	[smem:$0x3FB8] =	sst s10  }
0x35: {  	s10 =	sld [smem:$0x3FB7];
	_ =	sdelay $0x3  }
0x36: {  	p1 =	seq.s32 s10, $0x1;
	s10 =	sld [smem:$0x3FB8];
	_ =	sdelay $0x3  }
0x37: {  	[smem:$0x3FB8] =	sst s10  }
0x38: {  	s10 =	sld [smem:$0x3FB9]  }
0x39: {  	_ = 	snop;
	(pc) =	sbr.ind lr, $3  }
0x3a: {  	_ = 	snop  }
0x3b: {  	_ = 	snop  }
0x3c: {  	p2 =	seq.s32 s10, $0x1;
	s10 =	sld [smem:$0x3FB8]  }
0x3d: {  	_ =	shalt  }
0x3e: {  	_ =	shalt  }
0x3f: {  	_ =	shalt  }
0x40: {  	_ =	shalt  }
0x41: {  	_ =	shalt  }
0x42: {  	_ =	shalt  }
0x43: {  	_ =	shalt  }
0x44: {  	_ =	shalt  }
0x45: {  	_ =	shalt  }
0x46: {  	_ =	shalt  }
0x47: {  	_ =	shalt  }
0x48: {  	_ =	shalt  }
0x49: {  	_ =	shalt  }
0x4a: {  	_ =	shalt  }
0x4b: {  	_ =	shalt  }
0x4c: {  	_ =	shalt  }
0x4d: {  	_ =	shalt  }
0x4e: {  	_ =	shalt  }
0x4f: {  	_ =	shalt  }
0x50: {  	_ =	shalt  }
0x51: {  	_ =	shalt  }
0x52: {  	_ =	shalt  }
0x53: {  	_ =	shalt  }
0x54: {  	_ =	shalt  }
0x55: {  	_ =	shalt  }
0x56: {  	_ =	shalt  }
0x57: {  	_ =	shalt  }
0x58: {  	_ =	shalt  }
0x59: {  	_ =	shalt  }
0x5a: {  	_ =	shalt  }
0x5b: {  	_ =	shalt  }
0x5c: {  	_ =	shalt  }
0x5d: {  	_ =	shalt  }
0x5e: {  	_ =	shalt  }
0x5f: {  	_ =	shalt  }
0x60: {  	_ =	shalt  }
0x61: {  	_ =	shalt  }
0x62: {  	_ =	shalt  }
0x63: {  	_ =	shalt  }
0x64: {  	_ =	shalt  }
0x65: {  	_ =	shalt  }
0x66: {  	_ =	shalt  }
0x67: {  	_ =	shalt  }
0x68: {  	_ =	shalt  }
0x69: {  	_ =	shalt  }
0x6a: {  	_ =	shalt  }
0x6b: {  	_ =	shalt  }
0x6c: {  	_ =	shalt  }
0x6d: {  	_ =	shalt  }
0x6e: {  	_ =	shalt  }
0x6f: {  	_ =	shalt  }
0x70: {  	_ =	shalt  }
0x71: {  	_ =	shalt  }
0x72: {  	_ =	shalt  }
0x73: {  	_ =	shalt  }
0x74: {  	_ =	shalt  }
0x75: {  	_ =	shalt  }
0x76: {  	_ =	shalt  }
0x77: {  	_ =	shalt  }
0x78: {  	_ =	shalt  }
0x79: {  	_ =	shalt  }
0x7a: {  	_ =	shalt  }
0x7b: {  	_ =	shalt  }
0x7c: {  	_ =	shalt  }
0x7d: {  	_ =	shalt  }
0x7e: {  	_ =	shalt  }
0x7f: {  	_ =	shalt  }
0x80: {  	_ =	shalt  }
0x81: {  	_ =	shalt  }
0x82: {  	_ =	shalt  }
0x83: {  	_ =	shalt  }
0x84: {  	_ =	shalt  }
0x85: {  	_ =	shalt  }
0x86: {  	_ =	shalt  }
0x87: {  	_ =	shalt  }
.Lfunc_end0:
.L_simem_size_0:
called_computation_lowered:
.L_overlay_start_0:
0x88: {  	s2 =	sld [smem:$0x3FD9]  }
0x89: {  	s3 =	sld [smem:$0x3FFE];
	_ =	sdelay $0x1  }
0x8a: {  	s1 =	srdreg.scid  }
0x8b: {  	s0 =	sand.u32 $0x1, s1  }
0x8c: {  	s17 =	sshll.u32 s0, $0xA;
	s2 =	sadd.s32 s3, s2  }
0x8d: {  	s2 =	sadd.s32 s2, s17  }
0x8e: {  	[smem:$0x3FC4] =	sst s2  }
0x8f: {  	_ = 	snop  }
0x90: {  	s2 =	sld [smem:$0x3FC9]  }
0x91: {  	s18 =	sld [smem:$0x3FD0];
	(tm) =	ssettm $0x1  }
0x92: {  	s4 =	sld [smem:$0x3FFB];
	_ =	sdelay $0x3  }
0x93: {  	_ =	strace s4  }
0x94: {  	s4 =	sld [smem:$0x3FFC];
	_ =	sdelay $0x3  }
0x95: {  	_ =	strace s4  }
0x96: {  	s4 =	sld [smem:$0x3FFD];
	_ =	sdelay $0x3  }
0x97: {  	_ =	strace s4  }
0x98: {  	_ =	strace $0x8FFFFFFF  }
0x99: {  	s19 =	sld [smem:$0x3FDB];
	_ =	sdelay $0x1  }
0x9a: {  	s5 =	simm.s32 $_scs_section_size  }
0x9b: {  	s6 =	simm.s32 $_size__tile_overlayer_lowered;
	s7 =	simm.s32 $_tile_overlayer_lowered  }
0x9c: {  	s22 =	simm.s32 $0x1BFF;
	s21 =	sshll.u32 s7, $0x1;
	s4 =	sadd.s32 s5, s19  }
0x9d: {  	s8 =	simm.s32 $0x0;
	s20 =	sshll.u32 s6, $0x1;
	s6 =	sadd.s32 s21, s4  }
0x9e: {  	[timem:s8], [sflag:s22] =	dma.local [hbm:s6], s20  }
0x9f: {  	_ =	swait.ge [sflag:s22], s20  }
0xa0: {  	s5 =	ssub.s32 $0x0, s20;
	[sflag:s22] =	ssyncset.done $0x0  }
0xa1: {  	[sflag:s22] =	ssyncadd.s32 s5;
	_ =	sdelay $0x1  }
0xa2: {  	s23 =	simm.s32 $0x1B8B  }
0xa3: {  	_ =	swait.ge [sflag:s23], $0x1  }
0xa4: {  	[sflag:s23] =	ssyncset.done $0x0  }
0xa5: {  	s25 =	simm.s32 $0x1B8E;
	s24 =	sld [smem:$0x3FFE];
	[sflag:s23] =	ssyncadd.s32 $0xFFFFFFFF  }
0xa6: {  	s26 =	simm.s32 $execute0_lowered;
	[smem:$0x3FD2] =	sst s25  }
0xa7: {  	s6 =	sshll.u32 s26, $0x1;
	_ =	strace $0x80000046;
	[dreg:$0x1] =	wrdreg $0xFFFFFFFF  }
0xa8: {  	s28 =	simm.s32 $_size_execute0_lowered;
	s4 =	sadd.s32 s4, s6;
	[dreg:$0x0] =	wrdreg $0x0  }
0xa9: {  	s6 =	sshll.u32 s28, $0x1;
	[dreg:$0x2] =	wrdreg s4  }
0xaa: {  	[dreg:$0x3] =	wrdreg s6  }
0xab: {  	[dreg:$0x4] =	wrdreg $0xC0  }
0xac: {  	_ =	task [dreg:s8], $0x5FFFF  }
0xad: {  	[dreg:$0x1] =	wrdreg $0xFFFFFFFF  }
0xae: {  	[dreg:$0x0] =	wrdreg $0x60  }
0xaf: {  	[dreg:$0x2] =	wrdreg s2  }
0xb0: {  	[dreg:$0x3] =	wrdreg s24  }
0xb1: {  	[dreg:$0x4] =	wrdreg s18  }
0xb2: {  	[dreg:$0x5] =	wrdreg $0x9  }
0xb3: {  	_ =	task.clear_ibuf [dreg:s8], $0x6FFFF;
	_ =	strace $0x90000046  }
0xb4: {  	s29 =	simm.s32 $0x9;
	_ =	strace $0x80000048  }
0xb5: {  	_ =	swait.ge [sflag:s29], $0x1  }
0xb6: {  	[sflag:s29] =	ssyncadd.s32 $0xFFFFFFFF  }
0xb7: {  	_ =	strace $0x90000048  }
0xb8: {  	_ =	sfence  }
0xb9: {  	s30 =	sld [smem:$0x0];
	_ =	sdelay $0x2  }
0xba: {  	s31 =	sshll.u32 s1, $0xD;
	s1 =	sshrl.u32 s1, $0x2  }
0xbb: {  	s3 =	sand.u32 $0x4000, s31;
	s1 =	sadd.s32 s1, s30  }
0xbc: {  	s0 =	sor.u32 s3, s0;
	s1 =	sshll.u32 s1, $0x11  }
0xbd: {  	s0 =	sor.u32 s1, s0  }
0xbe: {  	s0 =	sadd.s32 $0x8F2B, s0  }
0xbf: {  	[sflag:s0] =	ssyncadd.remote.s32 $0x1  }
0xc0: {  	_ =	sfence.sel $0xFFFF  }
0xc1: {  	[dreg:$0x0] =	wrdreg $0xFFFFFFFF;
	(pc) =	sbr.abs _section_cstart, $3  }
0xc2: {  	[dreg:$0x1] =	wrdreg $0xFFFFFFFF  }
0xc3: {  	_ =	task.clear_ibuf [dreg:s8], $0x2FFFF;
	_ =	strace $0x9FFFFFFF  }
0xc4: {  	(tm) =	ssettm $0x7FFFFFFF  }
0xc5: {  	_ =	shalt  }
tec
execute0_lowered:
.L_overlay_start_1:
0x0: {  	(tag) =	ssettag $0x1  }
0x1: {  	s12 =	rddreg [dreg:$0x0]  }
0x2: {  	s2 =	rddreg [dreg:$0x1];
	s1 =	srdreg.scid  }
0x3: {  	s0 =	stileid.u32;
	s14 =	rddreg [dreg:$0x2]  }
0x4: {  	s3 =	simm.s32 $0x0;
	s18 =	simm.s32 $0x1300;
	s19 =	simm.s32 $0x6480  }
0x5: {  	s20 =	simm.s32 $0x1;
	s21 =	simm.s32 $0xB480;
	s22 =	simm.s32 $0x2  }
0x6: {  	s23 =	simm.s32 $0x10480;
	s4 =	sand.u32 $0x1, s1;
	s5 =	sshll.u32 s0, $0x1  }
0x7: {  	s24 =	simm.s32 $0x3;
	s25 =	simm.s32 $0x4;
	s5 =	sor.u32 s4, s5  }
0x8: {  	s1 =	rddreg [dreg:$0x3];
	s6 =	ssub.s32 $0x2, s4;
	s5 =	smul.u32 $0x19000, s5  }
0x9: {  	s26 =	simm.s32 $0x0;
	[smem:$0x7FF] =	sst s3;
	s7 =	sshrl.u32 s6, $0x1  }
0xa: {  	_ =	strace $0x80000047;
	s15 =	ssub.s32 s6, s7;
	s13 =	sshrl.u32 s5, $0x3  }
0xb: {  	s4 =	sadd.s32 $0x400, s2;
	s15 =	smax.u32 s15, $0x1;
	s5 =	sadd.s32 s12, s13  }
0xc: {  	s9 =	sadd.s32 $0xA00, s13;
	s7 =	sadd.s32 s14, s13;
	s11 =	sadd.s32 $0x1400, s13  }
0xd: {  	s16 =	sadd.s32 $0x1E00, s13;
	s17 =	sadd.s32 $0x2800, s13;
	s6 =	sadd.s32 s12, s9  }
0xe: {  	s8 =	sadd.s32 s12, s11;
	s9 =	sadd.s32 s14, s9;
	s10 =	sadd.s32 s12, s16  }
0xf: {  	s11 =	sadd.s32 s14, s11;
	s12 =	sadd.s32 s12, s17;
	s13 =	sadd.s32 s14, s16  }
0x10: {  	s14 =	sadd.s32 s14, s17;
	s16 =	simm.s32 $0x1480;
	s17 =	simm.s32 $0x5  }
.LBB2_1:
0x11: {  	[tilespmem:s16], [sflag:$0x1] =	stream.linear.gather [hbm4b:s5+s3], $0x5000, $0x38;
	[tilespmem:$0x15480] =	vst v63  }
0x12: {  	_ = 	snop  }
0x13: {  	[tilespmem:s3], [sflag:$0x5] =	stream.linear.gather [hbm4b:s2+s3], $0x1300, $0x38;
	[tilespmem:$0x15480] =	vst v63  }
0x14: {  	_ =	swait.ge [sflag:s17], $0x1300  }
0x15: {  	[sflag:s17] =	ssyncset.done $0x0  }
0x16: {  	[sflag:s17] =	ssyncadd.s32 $0xFFFFED00  }
0x17: {  	[tilespmem:s18], [sflag:$0x5] =	stream.linear.gather [hbm4b:s4+s3], $0x180, $0x38;
	[tilespmem:$0x15480] =	vst v63  }
0x18: {  	_ =	swait.ge [sflag:s17], $0x180  }
0x19: {  	[sflag:s17] =	ssyncset.done $0x0  }
0x1a: {  	s29 =	simm.s32 $0x0;
	[sflag:s17] =	ssyncadd.s32 $0xFFFFFE80  }
0x1b: {  	s28 =	simm.s32 $0x80;
	v0 =	vld [tilespmem:s29+$0x1300]  }
0x1c: {  	v1 =	vld [tilespmem:s28+$0xFFFFFF80];
	_ =	sdelay $0x1  }
0x1d: {  	v2 =	vld [tilespmem:s28+$0xFFFFFF90];
	_ =	sdelay $0x1  }
0x1e: {  	v4 =	vld [tilespmem:s28+$0xFFFFFFA0];
	v3 =	vbroadcast v0, $0x0  }
0x1f: {  	v1 =	vmax.f32 v1, $0.0e+00  }
0x20: {  	v5 =	vld [tilespmem:s28+$0xFFFFFFB0];
	v1 =	vmul.f32 v1, v3;
	v3 =	vbroadcast v0, $0x1  }
0x21: {  	v6 =	vimm.f32 $0.0e+00;
	v2 =	vmax.f32 v2, $0.0e+00  }
0x22: {  	v1 =	vadd.f32 v1, v6;
	v2 =	vmul.f32 v2, v3;
	v3 =	vbroadcast v0, $0x2;
	v6 =	vld [tilespmem:s28+$0xFFFFFFC0]  }
0x23: {  	v4 =	vmax.f32 v4, $0.0e+00  }
0x24: {  	v1 =	vadd.f32 v2, v1;
	v2 =	vmul.f32 v4, v3;
	v3 =	vbroadcast v0, $0x3;
	v4 =	vld [tilespmem:s28+$0xFFFFFFD0]  }
0x25: {  	v5 =	vmax.f32 v5, $0.0e+00  }
0x26: {  	v1 =	vadd.f32 v2, v1;
	v2 =	vmul.f32 v5, v3;
	v3 =	vbroadcast v0, $0x4;
	v5 =	vld [tilespmem:s28+$0xFFFFFFE0]  }
0x27: {  	v6 =	vmax.f32 v6, $0.0e+00  }
0x28: {  	v1 =	vadd.f32 v2, v1;
	v2 =	vmul.f32 v6, v3;
	v3 =	vbroadcast v0, $0x5;
	v6 =	vld [tilespmem:s28+$0xFFFFFFF0]  }
0x29: {  	v4 =	vmax.f32 v4, $0.0e+00  }
0x2a: {  	v1 =	vadd.f32 v2, v1;
	v2 =	vmul.f32 v4, v3;
	v3 =	vbroadcast v0, $0x6;
	v4 =	vld [tilespmem:s28+$0x0]  }
0x2b: {  	v5 =	vmax.f32 v5, $0.0e+00  }
0x2c: {  	v1 =	vadd.f32 v2, v1;
	v2 =	vmul.f32 v5, v3;
	v3 =	vbroadcast v0, $0x7;
	v5 =	vld [tilespmem:s28+$0x10]  }
0x2d: {  	v6 =	vmax.f32 v6, $0.0e+00  }
0x2e: {  	v1 =	vadd.f32 v2, v1;
	v2 =	vmul.f32 v6, v3;
	v3 =	vbroadcast v0, $0x8;
	v6 =	vld [tilespmem:s28+$0x20]  }
0x2f: {  	v4 =	vmax.f32 v4, $0.0e+00  }
0x30: {  	v1 =	vadd.f32 v2, v1;
	v2 =	vmul.f32 v4, v3;
	v3 =	vbroadcast v0, $0x9;
	v4 =	vld [tilespmem:s28+$0x30]  }
0x31: {  	v5 =	vmax.f32 v5, $0.0e+00  }
0x32: {  	v1 =	vadd.f32 v2, v1;
	v2 =	vmul.f32 v5, v3;
	v3 =	vbroadcast v0, $0xA;
	v5 =	vld [tilespmem:s28+$0x40]  }
0x33: {  	v6 =	vmax.f32 v6, $0.0e+00  }
0x34: {  	v1 =	vadd.f32 v2, v1;
	v3 =	vmul.f32 v6, v3;
	v6 =	vbroadcast v0, $0xB;
	v2 =	vld [tilespmem:s28+$0x50]  }
0x35: {  	v4 =	vmax.f32 v4, $0.0e+00  }
0x36: {  	v3 =	vadd.f32 v3, v1;
	v4 =	vmul.f32 v4, v6;
	v6 =	vbroadcast v0, $0xC;
	v1 =	vld [tilespmem:s28+$0x60]  }
0x37: {  	v5 =	vmax.f32 v5, $0.0e+00  }
0x38: {  	s30 =	simm.s32 $0x10;
	s29 =	simm.s32 $0x80;
	v4 =	vadd.f32 v4, v3;
	v5 =	vmul.f32 v5, v6;
	v6 =	vbroadcast v0, $0xD;
	v3 =	vld [tilespmem:s28+$0x70]  }
.LBB2_2:
0x39: {  	p0 =	sne.s32 s29, $0x480;
	v7 =	vld [tilespmem:s30+$0x1300];
	v2 =	vmax.f32 v2, $0.0e+00;
	s28 =	sadd.s32 $0x100, s28  }
0x3a: {  	v8 =	vld [tilespmem:s28+$0xFFFFFF80];
	v4 =	vadd.f32 v5, v4;
	v2 =	vmul.f32 v2, v6;
	v5 =	vbroadcast v0, $0xE  }
0x3b: {  	v1 =	vmax.f32 v1, $0.0e+00  }
0x3c: {  	v9 =	vbroadcast v0, $0xF;
	v6 =	vld [tilespmem:s28+$0xFFFFFF90];
	v2 =	vadd.f32 v2, v4;
	v1 =	vmul.f32 v1, v5  }
0x3d: {  	v3 =	vmax.f32 v3, $0.0e+00  }
0x3e: {  	v4 =	vbroadcast v7, $0x0;
	v5 =	vld [tilespmem:s28+$0xFFFFFFA0];
	v1 =	vadd.f32 v1, v2;
	v2 =	vmul.f32 v3, v9;
	v0 =	vmovc v7  }
0x3f: {  	v3 =	vmax.f32 v8, $0.0e+00  }
0x40: {  	v3 =	vmul.f32 v3, v4;
	v4 =	vbroadcast v0, $0x1;
	v7 =	vld [tilespmem:s28+$0xFFFFFFB0];
	v1 =	vadd.f32 v2, v1  }
0x41: {  	v2 =	vmax.f32 v6, $0.0e+00  }
0x42: {  	v1 =	vadd.f32 v3, v1;
	v2 =	vmul.f32 v2, v4;
	v3 =	vbroadcast v0, $0x2;
	v4 =	vld [tilespmem:s28+$0xFFFFFFC0]  }
0x43: {  	v5 =	vmax.f32 v5, $0.0e+00  }
0x44: {  	v1 =	vadd.f32 v2, v1;
	v2 =	vmul.f32 v5, v3;
	v3 =	vbroadcast v0, $0x3;
	v5 =	vld [tilespmem:s28+$0xFFFFFFD0]  }
0x45: {  	v6 =	vmax.f32 v7, $0.0e+00  }
0x46: {  	v1 =	vadd.f32 v2, v1;
	v2 =	vmul.f32 v6, v3;
	v3 =	vbroadcast v0, $0x4;
	v6 =	vld [tilespmem:s28+$0xFFFFFFE0]  }
0x47: {  	v4 =	vmax.f32 v4, $0.0e+00  }
0x48: {  	v1 =	vadd.f32 v2, v1;
	v2 =	vmul.f32 v4, v3;
	v3 =	vbroadcast v0, $0x5;
	v4 =	vld [tilespmem:s28+$0xFFFFFFF0]  }
0x49: {  	v5 =	vmax.f32 v5, $0.0e+00  }
0x4a: {  	v1 =	vadd.f32 v2, v1;
	v2 =	vmul.f32 v5, v3;
	v3 =	vbroadcast v0, $0x6;
	v5 =	vld [tilespmem:s28+$0x0]  }
0x4b: {  	v6 =	vmax.f32 v6, $0.0e+00  }
0x4c: {  	v1 =	vadd.f32 v2, v1;
	v2 =	vmul.f32 v6, v3;
	v3 =	vbroadcast v0, $0x7;
	v6 =	vld [tilespmem:s28+$0x10]  }
0x4d: {  	v4 =	vmax.f32 v4, $0.0e+00  }
0x4e: {  	v1 =	vadd.f32 v2, v1;
	v2 =	vmul.f32 v4, v3;
	v3 =	vbroadcast v0, $0x8;
	v4 =	vld [tilespmem:s28+$0x20]  }
0x4f: {  	v5 =	vmax.f32 v5, $0.0e+00  }
0x50: {  	v1 =	vadd.f32 v2, v1;
	v2 =	vmul.f32 v5, v3;
	v3 =	vbroadcast v0, $0x9;
	v5 =	vld [tilespmem:s28+$0x30]  }
0x51: {  	v6 =	vmax.f32 v6, $0.0e+00  }
0x52: {  	v1 =	vadd.f32 v2, v1;
	v2 =	vmul.f32 v6, v3;
	v3 =	vbroadcast v0, $0xA;
	v6 =	vld [tilespmem:s28+$0x40]  }
0x53: {  	v4 =	vmax.f32 v4, $0.0e+00  }
.Ltmp0:
0x54: {  	v1 =	vadd.f32 v2, v1;
	v3 =	vmul.f32 v4, v3;
	v4 =	vbroadcast v0, $0xB;
	v2 =	vld [tilespmem:s28+$0x50];
	(pc) =	sbr.rel @p0 .LBB2_2-.Ltmp0, $4  }
0x55: {  	v5 =	vmax.f32 v5, $0.0e+00  }
0x56: {  	v3 =	vadd.f32 v3, v1;
	v4 =	vmul.f32 v5, v4;
	v5 =	vbroadcast v0, $0xC;
	v1 =	vld [tilespmem:s28+$0x60]  }
0x57: {  	v6 =	vmax.f32 v6, $0.0e+00  }
0x58: {  	s30 =	sshra.s32 s29, $0x2;
	s29 =	sadd.s32 $0x40, s29;
	v4 =	vadd.f32 v4, v3;
	v5 =	vmul.f32 v6, v5;
	v6 =	vbroadcast v0, $0xD;
	v3 =	vld [tilespmem:s28+$0x70]  }
0x59: {  	v7 =	vld [tilespmem:s30+$0x1300];
	v2 =	vmax.f32 v2, $0.0e+00;
	s28 =	sadd.s32 $0x100, s28  }
0x5a: {  	v8 =	vld [tilespmem:s28+$0xFFFFFF80];
	v4 =	vadd.f32 v5, v4;
	v2 =	vmul.f32 v2, v6;
	v5 =	vbroadcast v0, $0xE  }
0x5b: {  	v1 =	vmax.f32 v1, $0.0e+00  }
0x5c: {  	v6 =	vld [tilespmem:s28+$0xFFFFFF90];
	v0 =	vbroadcast v0, $0xF;
	v2 =	vadd.f32 v2, v4;
	v1 =	vmul.f32 v1, v5  }
0x5d: {  	v3 =	vmax.f32 v3, $0.0e+00  }
0x5e: {  	v5 =	vld [tilespmem:s28+$0xFFFFFFA0];
	v4 =	vbroadcast v7, $0x0;
	v1 =	vadd.f32 v1, v2;
	v0 =	vmul.f32 v3, v0  }
0x5f: {  	v2 =	vmax.f32 v8, $0.0e+00  }
0x60: {  	v3 =	vbroadcast v7, $0x1;
	v2 =	vmul.f32 v2, v4;
	v4 =	vld [tilespmem:s28+$0xFFFFFFB0];
	v0 =	vadd.f32 v0, v1  }
0x61: {  	v1 =	vmax.f32 v6, $0.0e+00  }
0x62: {  	v1 =	vmul.f32 v1, v3;
	v3 =	vld [tilespmem:s28+$0xFFFFFFC0];
	v0 =	vadd.f32 v2, v0;
	v2 =	vbroadcast v7, $0x2  }
0x63: {  	v5 =	vmax.f32 v5, $0.0e+00  }
0x64: {  	v0 =	vadd.f32 v1, v0;
	v1 =	vmul.f32 v5, v2;
	v2 =	vbroadcast v7, $0x3;
	v5 =	vld [tilespmem:s28+$0xFFFFFFD0]  }
0x65: {  	v4 =	vmax.f32 v4, $0.0e+00  }
0x66: {  	v0 =	vadd.f32 v1, v0;
	v1 =	vmul.f32 v4, v2;
	v2 =	vbroadcast v7, $0x4;
	v4 =	vld [tilespmem:s28+$0xFFFFFFE0]  }
0x67: {  	v3 =	vmax.f32 v3, $0.0e+00  }
0x68: {  	v0 =	vadd.f32 v1, v0;
	v1 =	vmul.f32 v3, v2;
	v2 =	vbroadcast v7, $0x5;
	v3 =	vld [tilespmem:s28+$0xFFFFFFF0]  }
0x69: {  	v5 =	vmax.f32 v5, $0.0e+00  }
0x6a: {  	v0 =	vadd.f32 v1, v0;
	v1 =	vmul.f32 v5, v2;
	v2 =	vbroadcast v7, $0x6;
	v5 =	vld [tilespmem:s28+$0x0]  }
0x6b: {  	v4 =	vmax.f32 v4, $0.0e+00  }
0x6c: {  	v0 =	vadd.f32 v1, v0;
	v1 =	vmul.f32 v4, v2;
	v2 =	vbroadcast v7, $0x7;
	v4 =	vld [tilespmem:s28+$0x10]  }
0x6d: {  	v3 =	vmax.f32 v3, $0.0e+00  }
0x6e: {  	v0 =	vadd.f32 v1, v0;
	v1 =	vmul.f32 v3, v2;
	v2 =	vbroadcast v7, $0x8;
	v3 =	vld [tilespmem:s28+$0x20]  }
0x6f: {  	v5 =	vmax.f32 v5, $0.0e+00  }
0x70: {  	v0 =	vadd.f32 v1, v0;
	v1 =	vmul.f32 v5, v2;
	v2 =	vbroadcast v7, $0x9;
	v5 =	vld [tilespmem:s28+$0x30]  }
0x71: {  	v4 =	vmax.f32 v4, $0.0e+00  }
0x72: {  	v0 =	vadd.f32 v1, v0;
	v1 =	vmul.f32 v4, v2;
	v2 =	vbroadcast v7, $0xA;
	v4 =	vld [tilespmem:s28+$0x40]  }
0x73: {  	v3 =	vmax.f32 v3, $0.0e+00  }
0x74: {  	v0 =	vadd.f32 v1, v0;
	v1 =	vmul.f32 v3, v2;
	v2 =	vbroadcast v7, $0xB;
	v3 =	vld [tilespmem:s28+$0x50]  }
0x75: {  	v5 =	vmax.f32 v5, $0.0e+00  }
0x76: {  	v0 =	vadd.f32 v1, v0;
	v1 =	vmul.f32 v5, v2;
	v2 =	vbroadcast v7, $0xC;
	v5 =	vld [tilespmem:s28+$0x60]  }
0x77: {  	v4 =	vmax.f32 v4, $0.0e+00  }
0x78: {  	v0 =	vadd.f32 v1, v0;
	v1 =	vmul.f32 v4, v2;
	v2 =	vbroadcast v7, $0xD;
	v4 =	vld [tilespmem:s28+$0x70]  }
0x79: {  	[tilespmem:s19], [sflag:$0x2] =	stream.linear.gather [hbm4b:s6+s3], $0x5000, $0x38;
	v3 =	vmax.f32 v3, $0.0e+00;
	[tilespmem:$0x15480] =	vst v63  }
0x7a: {  	_ =	swait.ge [sflag:s20], $0x5000;
	v0 =	vadd.f32 v1, v0;
	v1 =	vmul.f32 v3, v2;
	v2 =	vbroadcast v7, $0xE  }
0x7b: {  	[sflag:s20] =	ssyncset.done $0x0;
	v3 =	vmax.f32 v5, $0.0e+00  }
0x7c: {  	s30 =	simm.s32 $0x1500;
	[sflag:s20] =	ssyncadd.s32 $0xFFFFB000;
	v0 =	vadd.f32 v1, v0;
	v1 =	vmul.f32 v3, v2;
	v2 =	vbroadcast v7, $0xF  }
0x7d: {  	v3 =	vmax.f32 v4, $0.0e+00;
	v4 =	vld [tilespmem:s30+$0x70]  }
0x7e: {  	v0 =	vadd.f32 v1, v0;
	v1 =	vmul.f32 v3, v2;
	v2 =	vld [tilespmem:s30+$0xFFFFFF90]  }
0x7f: {  	v3 =	vld [tilespmem:s30+$0xFFFFFFA0]  }
0x80: {  	v0 =	vadd.f32 v1, v0;
	v1 =	vld [tilespmem:s30+$0xFFFFFFB0]  }
0x81: {  	v5 =	vld [tilespmem:s30+$0xFFFFFFC0]  }
0x82: {  	v6 =	vld [tilespmem:s30+$0xFFFFFFD0];
	v4 =	vperm.xlane v0, v4  }
0x83: {  	s28 =	simm.s32 $0xB500;
	v7 =	vld [tilespmem:s30+$0xFFFFFFE0];
	v2 =	vperm.xlane v0, v2  }
0x84: {  	v8 =	vld [tilespmem:s30+$0xFFFFFFF0];
	v3 =	vperm.xlane v0, v3;
	[tilespmem:s28+$0x70] =	vst v4  }
0x85: {  	v4 =	vld [tilespmem:s30+$0x0];
	[tilespmem:s28+$0xFFFFFF90] =	vst v2;
	v1 =	vperm.xlane v0, v1  }
0x86: {  	[tilespmem:s28+$0xFFFFFFA0] =	vst v3;
	v2 =	vperm.xlane v0, v5;
	v5 =	vld [tilespmem:s30+$0x10]  }
0x87: {  	v9 =	vld [tilespmem:s30+$0x20];
	v3 =	vperm.xlane v0, v6;
	[tilespmem:s28+$0xFFFFFFB0] =	vst v1  }
0x88: {  	v6 =	vperm.xlane v0, v7;
	[tilespmem:s28+$0xFFFFFFC0] =	vst v2;
	v1 =	vld [tilespmem:s30+$0x30]  }
0x89: {  	v7 =	vperm.xlane v0, v8;
	[tilespmem:s28+$0xFFFFFFD0] =	vst v3;
	v2 =	vld [tilespmem:s30+$0x40]  }
0x8a: {  	[tilespmem:s28+$0xFFFFFFE0] =	vst v6;
	v3 =	vld [tilespmem:s30+$0x50];
	v8 =	vperm.xlane v0, v4  }
0x8b: {  	[tilespmem:s28+$0xFFFFFFF0] =	vst v7;
	v4 =	vld [tilespmem:s30+$0x60];
	v6 =	vperm.xlane v0, v5  }
0x8c: {  	s29 =	simm.s32 $0x0;
	v7 =	vperm.xlane v0, v9;
	v5 =	vld [tilespmem:s30+$0xFFFFFF80];
	s30 =	simm.s32 $0x1600;
	[tilespmem:s28+$0x0] =	vst v8  }
.LBB2_4:
0x8d: {  	v8 =	vld [tilespmem:s30+$0x70];
	s29 =	sadd.s32 $0x10, s29;
	[tilespmem:s28+$0x10] =	vst v6;
	v1 =	vperm.xlane v0, v1  }
0x8e: {  	v6 =	vld [tilespmem:s30+$0xFFFFFF90];
	p0 =	slt.u32 s29, $0x4F0;
	[tilespmem:s28+$0x20] =	vst v7;
	v2 =	vperm.xlane v0, v2  }
0x8f: {  	v7 =	vld [tilespmem:s30+$0xFFFFFFA0];
	[tilespmem:s28+$0x30] =	vst v1;
	v1 =	vperm.xlane v0, v3  }
0x90: {  	v3 =	vld [tilespmem:s30+$0xFFFFFFB0];
	[tilespmem:s28+$0x40] =	vst v2;
	v2 =	vperm.xlane v0, v4  }
0x91: {  	v4 =	vld [tilespmem:s30+$0xFFFFFFC0];
	v5 =	vperm.xlane v0, v5;
	[tilespmem:s28+$0x50] =	vst v1  }
0x92: {  	v1 =	vld [tilespmem:s30+$0xFFFFFFD0];
	v8 =	vperm.xlane v0, v8;
	[tilespmem:s28+$0x60] =	vst v2  }
0x93: {  	v2 =	vperm.xlane v0, v6;
	v6 =	vld [tilespmem:s30+$0xFFFFFFE0];
	[tilespmem:s28+$0xFFFFFF80] =	vst v5;
	s28 =	sadd.s32 $0x100, s28  }
0x94: {  	v5 =	vperm.xlane v0, v7;
	v7 =	vld [tilespmem:s30+$0xFFFFFFF0];
	[tilespmem:s28+$0x70] =	vst v8  }
0x95: {  	[tilespmem:s28+$0xFFFFFF90] =	vst v2;
	v2 =	vperm.xlane v0, v3;
	v3 =	vld [tilespmem:s30+$0x0]  }
0x96: {  	[tilespmem:s28+$0xFFFFFFA0] =	vst v5;
	v4 =	vperm.xlane v0, v4;
	v5 =	vld [tilespmem:s30+$0x10]  }
0x97: {  	[tilespmem:s28+$0xFFFFFFB0] =	vst v2;
	v2 =	vperm.xlane v0, v1;
	v8 =	vld [tilespmem:s30+$0x20]  }
.Ltmp1:
0x98: {  	[tilespmem:s28+$0xFFFFFFC0] =	vst v4;
	v4 =	vperm.xlane v0, v6;
	v1 =	vld [tilespmem:s30+$0x30];
	(pc) =	sbr.rel @p0 .LBB2_4-.Ltmp1, $4  }
0x99: {  	[tilespmem:s28+$0xFFFFFFD0] =	vst v2;
	v6 =	vperm.xlane v0, v7;
	v2 =	vld [tilespmem:s30+$0x40]  }
0x9a: {  	[tilespmem:s28+$0xFFFFFFE0] =	vst v4;
	v7 =	vperm.xlane v0, v3;
	v3 =	vld [tilespmem:s30+$0x50]  }
0x9b: {  	[tilespmem:s28+$0xFFFFFFF0] =	vst v6;
	v6 =	vperm.xlane v0, v5;
	v4 =	vld [tilespmem:s30+$0x60]  }
0x9c: {  	v5 =	vld [tilespmem:s30+$0xFFFFFF80];
	[tilespmem:s28+$0x0] =	vst v7;
	v7 =	vperm.xlane v0, v8;
	s30 =	sadd.s32 $0x100, s30  }
0x9d: {  	[tilespmem:s28+$0x10] =	vst v6;
	v1 =	vperm.xlane v0, v1  }
0x9e: {  	[tilespmem:s28+$0x20] =	vst v7;
	v2 =	vperm.xlane v0, v2  }
0x9f: {  	[tilespmem:s28+$0x30] =	vst v1;
	v1 =	vperm.xlane v0, v3  }
0xa0: {  	[tilespmem:s28+$0x40] =	vst v2;
	v2 =	vperm.xlane v0, v4  }
0xa1: {  	v3 =	vperm.xlane v0, v5;
	[tilespmem:s28+$0x50] =	vst v1  }
0xa2: {  	[tilespmem:s28+$0x60] =	vst v2  }
0xa3: {  	[tilespmem:s28+$0xFFFFFF80] =	vst v3  }
0xa4: {  	[hbm4b:s7+s3] =	stream.linear.scatter [tilespmem:s21], [sflag:$0x3], $0x5000, $0x38;
	[tilespmem:$0x15480] =	vst v63  }
0xa5: {  	_ = 	snop  }
0xa6: {  	[tilespmem:s16], [sflag:$0x1] =	stream.linear.gather [hbm4b:s8+s3], $0x5000, $0x38;
	[tilespmem:$0x15480] =	vst v63  }
0xa7: {  	_ =	swait.ge [sflag:s22], $0x5000  }
0xa8: {  	[sflag:s22] =	ssyncset.done $0x0  }
0xa9: {  	s30 =	simm.s32 $0x6500;
	[sflag:s22] =	ssyncadd.s32 $0xFFFFB000  }
0xaa: {  	v1 =	vld [tilespmem:s30+$0x70]  }
0xab: {  	v2 =	vld [tilespmem:s30+$0xFFFFFF90]  }
0xac: {  	v3 =	vld [tilespmem:s30+$0xFFFFFFA0]  }
0xad: {  	v4 =	vld [tilespmem:s30+$0xFFFFFFB0]  }
0xae: {  	v5 =	vld [tilespmem:s30+$0xFFFFFFC0]  }
0xaf: {  	v6 =	vld [tilespmem:s30+$0xFFFFFFD0];
	v1 =	vperm.xlane v0, v1  }
0xb0: {  	s28 =	simm.s32 $0x10500;
	v7 =	vld [tilespmem:s30+$0xFFFFFFE0];
	v2 =	vperm.xlane v0, v2  }
0xb1: {  	v8 =	vld [tilespmem:s30+$0xFFFFFFF0];
	v3 =	vperm.xlane v0, v3;
	[tilespmem:s28+$0x70] =	vst v1  }
0xb2: {  	[tilespmem:s28+$0xFFFFFF90] =	vst v2;
	v1 =	vperm.xlane v0, v4;
	v4 =	vld [tilespmem:s30+$0x0]  }
0xb3: {  	[tilespmem:s28+$0xFFFFFFA0] =	vst v3;
	v2 =	vperm.xlane v0, v5;
	v5 =	vld [tilespmem:s30+$0x10]  }
0xb4: {  	v9 =	vld [tilespmem:s30+$0x20];
	v3 =	vperm.xlane v0, v6;
	[tilespmem:s28+$0xFFFFFFB0] =	vst v1  }
0xb5: {  	v6 =	vperm.xlane v0, v7;
	[tilespmem:s28+$0xFFFFFFC0] =	vst v2;
	v1 =	vld [tilespmem:s30+$0x30]  }
0xb6: {  	v7 =	vperm.xlane v0, v8;
	[tilespmem:s28+$0xFFFFFFD0] =	vst v3;
	v2 =	vld [tilespmem:s30+$0x40]  }
0xb7: {  	[tilespmem:s28+$0xFFFFFFE0] =	vst v6;
	v3 =	vld [tilespmem:s30+$0x50];
	v8 =	vperm.xlane v0, v4  }
0xb8: {  	[tilespmem:s28+$0xFFFFFFF0] =	vst v7;
	v4 =	vld [tilespmem:s30+$0x60];
	v6 =	vperm.xlane v0, v5  }
0xb9: {  	s29 =	simm.s32 $0x0;
	v7 =	vperm.xlane v0, v9;
	v5 =	vld [tilespmem:s30+$0xFFFFFF80];
	s30 =	simm.s32 $0x6600;
	[tilespmem:s28+$0x0] =	vst v8  }
.LBB2_6:
0xba: {  	v8 =	vld [tilespmem:s30+$0x70];
	s29 =	sadd.s32 $0x10, s29;
	[tilespmem:s28+$0x10] =	vst v6;
	v1 =	vperm.xlane v0, v1  }
0xbb: {  	v6 =	vld [tilespmem:s30+$0xFFFFFF90];
	p0 =	slt.u32 s29, $0x4F0;
	[tilespmem:s28+$0x20] =	vst v7;
	v2 =	vperm.xlane v0, v2  }
0xbc: {  	v7 =	vld [tilespmem:s30+$0xFFFFFFA0];
	[tilespmem:s28+$0x30] =	vst v1;
	v1 =	vperm.xlane v0, v3  }
0xbd: {  	v3 =	vld [tilespmem:s30+$0xFFFFFFB0];
	[tilespmem:s28+$0x40] =	vst v2;
	v2 =	vperm.xlane v0, v4  }
0xbe: {  	v4 =	vld [tilespmem:s30+$0xFFFFFFC0];
	v5 =	vperm.xlane v0, v5;
	[tilespmem:s28+$0x50] =	vst v1  }
0xbf: {  	v1 =	vld [tilespmem:s30+$0xFFFFFFD0];
	v8 =	vperm.xlane v0, v8;
	[tilespmem:s28+$0x60] =	vst v2  }
0xc0: {  	v2 =	vperm.xlane v0, v6;
	v6 =	vld [tilespmem:s30+$0xFFFFFFE0];
	[tilespmem:s28+$0xFFFFFF80] =	vst v5;
	s28 =	sadd.s32 $0x100, s28  }
0xc1: {  	v5 =	vperm.xlane v0, v7;
	v7 =	vld [tilespmem:s30+$0xFFFFFFF0];
	[tilespmem:s28+$0x70] =	vst v8  }
0xc2: {  	[tilespmem:s28+$0xFFFFFF90] =	vst v2;
	v2 =	vperm.xlane v0, v3;
	v3 =	vld [tilespmem:s30+$0x0]  }
0xc3: {  	[tilespmem:s28+$0xFFFFFFA0] =	vst v5;
	v4 =	vperm.xlane v0, v4;
	v5 =	vld [tilespmem:s30+$0x10]  }
0xc4: {  	[tilespmem:s28+$0xFFFFFFB0] =	vst v2;
	v2 =	vperm.xlane v0, v1;
	v8 =	vld [tilespmem:s30+$0x20]  }
.Ltmp2:
0xc5: {  	[tilespmem:s28+$0xFFFFFFC0] =	vst v4;
	v4 =	vperm.xlane v0, v6;
	v1 =	vld [tilespmem:s30+$0x30];
	(pc) =	sbr.rel @p0 .LBB2_6-.Ltmp2, $4  }
0xc6: {  	[tilespmem:s28+$0xFFFFFFD0] =	vst v2;
	v6 =	vperm.xlane v0, v7;
	v2 =	vld [tilespmem:s30+$0x40]  }
0xc7: {  	[tilespmem:s28+$0xFFFFFFE0] =	vst v4;
	v7 =	vperm.xlane v0, v3;
	v3 =	vld [tilespmem:s30+$0x50]  }
0xc8: {  	[tilespmem:s28+$0xFFFFFFF0] =	vst v6;
	v6 =	vperm.xlane v0, v5;
	v4 =	vld [tilespmem:s30+$0x60]  }
0xc9: {  	v5 =	vld [tilespmem:s30+$0xFFFFFF80];
	[tilespmem:s28+$0x0] =	vst v7;
	v7 =	vperm.xlane v0, v8;
	s30 =	sadd.s32 $0x100, s30  }
0xca: {  	[tilespmem:s28+$0x10] =	vst v6;
	v1 =	vperm.xlane v0, v1  }
0xcb: {  	[tilespmem:s28+$0x20] =	vst v7;
	v2 =	vperm.xlane v0, v2  }
0xcc: {  	[tilespmem:s28+$0x30] =	vst v1;
	v1 =	vperm.xlane v0, v3  }
0xcd: {  	[tilespmem:s28+$0x40] =	vst v2;
	v2 =	vperm.xlane v0, v4  }
0xce: {  	v3 =	vperm.xlane v0, v5;
	[tilespmem:s28+$0x50] =	vst v1  }
0xcf: {  	[tilespmem:s28+$0x60] =	vst v2  }
0xd0: {  	[tilespmem:s28+$0xFFFFFF80] =	vst v3  }
0xd1: {  	[hbm4b:s9+s3] =	stream.linear.scatter [tilespmem:s23], [sflag:$0x4], $0x5000, $0x38;
	[tilespmem:$0x15480] =	vst v63  }
0xd2: {  	_ = 	snop  }
0xd3: {  	[tilespmem:s19], [sflag:$0x2] =	stream.linear.gather [hbm4b:s10+s3], $0x5000, $0x38;
	[tilespmem:$0x15480] =	vst v63  }
0xd4: {  	_ =	swait.ge [sflag:s20], $0x5000  }
0xd5: {  	[sflag:s20] =	ssyncset.done $0x0  }
0xd6: {  	[sflag:s20] =	ssyncadd.s32 $0xFFFFB000  }
0xd7: {  	_ =	swait.ge [sflag:s24], $0x5000  }
0xd8: {  	[sflag:s24] =	ssyncset.done $0x0  }
0xd9: {  	s30 =	simm.s32 $0x1500;
	[sflag:s24] =	ssyncadd.s32 $0xFFFFB000  }
0xda: {  	v1 =	vld [tilespmem:s30+$0x70]  }
0xdb: {  	v2 =	vld [tilespmem:s30+$0xFFFFFF90]  }
0xdc: {  	v3 =	vld [tilespmem:s30+$0xFFFFFFA0]  }
0xdd: {  	v4 =	vld [tilespmem:s30+$0xFFFFFFB0]  }
0xde: {  	v5 =	vld [tilespmem:s30+$0xFFFFFFC0]  }
0xdf: {  	v6 =	vld [tilespmem:s30+$0xFFFFFFD0];
	v1 =	vperm.xlane v0, v1  }
0xe0: {  	s28 =	simm.s32 $0xB500;
	v7 =	vld [tilespmem:s30+$0xFFFFFFE0];
	v2 =	vperm.xlane v0, v2  }
0xe1: {  	v8 =	vld [tilespmem:s30+$0xFFFFFFF0];
	v3 =	vperm.xlane v0, v3;
	[tilespmem:s28+$0x70] =	vst v1  }
0xe2: {  	[tilespmem:s28+$0xFFFFFF90] =	vst v2;
	v1 =	vperm.xlane v0, v4;
	v4 =	vld [tilespmem:s30+$0x0]  }
0xe3: {  	[tilespmem:s28+$0xFFFFFFA0] =	vst v3;
	v2 =	vperm.xlane v0, v5;
	v5 =	vld [tilespmem:s30+$0x10]  }
0xe4: {  	v9 =	vld [tilespmem:s30+$0x20];
	v3 =	vperm.xlane v0, v6;
	[tilespmem:s28+$0xFFFFFFB0] =	vst v1  }
0xe5: {  	v6 =	vperm.xlane v0, v7;
	[tilespmem:s28+$0xFFFFFFC0] =	vst v2;
	v1 =	vld [tilespmem:s30+$0x30]  }
0xe6: {  	v7 =	vperm.xlane v0, v8;
	[tilespmem:s28+$0xFFFFFFD0] =	vst v3;
	v2 =	vld [tilespmem:s30+$0x40]  }
0xe7: {  	[tilespmem:s28+$0xFFFFFFE0] =	vst v6;
	v3 =	vld [tilespmem:s30+$0x50];
	v8 =	vperm.xlane v0, v4  }
0xe8: {  	[tilespmem:s28+$0xFFFFFFF0] =	vst v7;
	v4 =	vld [tilespmem:s30+$0x60];
	v6 =	vperm.xlane v0, v5  }
0xe9: {  	s29 =	simm.s32 $0x0;
	v7 =	vperm.xlane v0, v9;
	v5 =	vld [tilespmem:s30+$0xFFFFFF80];
	s30 =	simm.s32 $0x1600;
	[tilespmem:s28+$0x0] =	vst v8  }
.LBB2_8:
0xea: {  	v8 =	vld [tilespmem:s30+$0x70];
	s29 =	sadd.s32 $0x10, s29;
	[tilespmem:s28+$0x10] =	vst v6;
	v1 =	vperm.xlane v0, v1  }
0xeb: {  	v6 =	vld [tilespmem:s30+$0xFFFFFF90];
	p0 =	slt.u32 s29, $0x4F0;
	[tilespmem:s28+$0x20] =	vst v7;
	v2 =	vperm.xlane v0, v2  }
0xec: {  	v7 =	vld [tilespmem:s30+$0xFFFFFFA0];
	[tilespmem:s28+$0x30] =	vst v1;
	v1 =	vperm.xlane v0, v3  }
0xed: {  	v3 =	vld [tilespmem:s30+$0xFFFFFFB0];
	[tilespmem:s28+$0x40] =	vst v2;
	v2 =	vperm.xlane v0, v4  }
0xee: {  	v4 =	vld [tilespmem:s30+$0xFFFFFFC0];
	v5 =	vperm.xlane v0, v5;
	[tilespmem:s28+$0x50] =	vst v1  }
0xef: {  	v1 =	vld [tilespmem:s30+$0xFFFFFFD0];
	v8 =	vperm.xlane v0, v8;
	[tilespmem:s28+$0x60] =	vst v2  }
0xf0: {  	v2 =	vperm.xlane v0, v6;
	v6 =	vld [tilespmem:s30+$0xFFFFFFE0];
	[tilespmem:s28+$0xFFFFFF80] =	vst v5;
	s28 =	sadd.s32 $0x100, s28  }
0xf1: {  	v5 =	vperm.xlane v0, v7;
	v7 =	vld [tilespmem:s30+$0xFFFFFFF0];
	[tilespmem:s28+$0x70] =	vst v8  }
0xf2: {  	[tilespmem:s28+$0xFFFFFF90] =	vst v2;
	v2 =	vperm.xlane v0, v3;
	v3 =	vld [tilespmem:s30+$0x0]  }
0xf3: {  	[tilespmem:s28+$0xFFFFFFA0] =	vst v5;
	v4 =	vperm.xlane v0, v4;
	v5 =	vld [tilespmem:s30+$0x10]  }
0xf4: {  	[tilespmem:s28+$0xFFFFFFB0] =	vst v2;
	v2 =	vperm.xlane v0, v1;
	v8 =	vld [tilespmem:s30+$0x20]  }
.Ltmp3:
0xf5: {  	[tilespmem:s28+$0xFFFFFFC0] =	vst v4;
	v4 =	vperm.xlane v0, v6;
	v1 =	vld [tilespmem:s30+$0x30];
	(pc) =	sbr.rel @p0 .LBB2_8-.Ltmp3, $4  }
0xf6: {  	[tilespmem:s28+$0xFFFFFFD0] =	vst v2;
	v6 =	vperm.xlane v0, v7;
	v2 =	vld [tilespmem:s30+$0x40]  }
0xf7: {  	[tilespmem:s28+$0xFFFFFFE0] =	vst v4;
	v7 =	vperm.xlane v0, v3;
	v3 =	vld [tilespmem:s30+$0x50]  }
0xf8: {  	[tilespmem:s28+$0xFFFFFFF0] =	vst v6;
	v6 =	vperm.xlane v0, v5;
	v4 =	vld [tilespmem:s30+$0x60]  }
0xf9: {  	v5 =	vld [tilespmem:s30+$0xFFFFFF80];
	[tilespmem:s28+$0x0] =	vst v7;
	v7 =	vperm.xlane v0, v8;
	s30 =	sadd.s32 $0x100, s30  }
0xfa: {  	[tilespmem:s28+$0x10] =	vst v6;
	v1 =	vperm.xlane v0, v1  }
0xfb: {  	[tilespmem:s28+$0x20] =	vst v7;
	v2 =	vperm.xlane v0, v2  }
0xfc: {  	[tilespmem:s28+$0x30] =	vst v1;
	v1 =	vperm.xlane v0, v3  }
0xfd: {  	[tilespmem:s28+$0x40] =	vst v2;
	v2 =	vperm.xlane v0, v4  }
0xfe: {  	v3 =	vperm.xlane v0, v5;
	[tilespmem:s28+$0x50] =	vst v1  }
0xff: {  	[tilespmem:s28+$0x60] =	vst v2  }
0x100: {  	[tilespmem:s28+$0xFFFFFF80] =	vst v3  }
0x101: {  	[hbm4b:s11+s3] =	stream.linear.scatter [tilespmem:s21], [sflag:$0x3], $0x5000, $0x38;
	[tilespmem:$0x15480] =	vst v63  }
0x102: {  	_ = 	snop  }
0x103: {  	[tilespmem:s16], [sflag:$0x1] =	stream.linear.gather [hbm4b:s12+s3], $0x5000, $0x38;
	[tilespmem:$0x15480] =	vst v63  }
0x104: {  	_ =	swait.ge [sflag:s22], $0x5000  }
0x105: {  	[sflag:s22] =	ssyncset.done $0x0  }
0x106: {  	[sflag:s22] =	ssyncadd.s32 $0xFFFFB000  }
0x107: {  	_ =	swait.ge [sflag:s25], $0x5000  }
0x108: {  	[sflag:s25] =	ssyncset.done $0x0  }
0x109: {  	s30 =	simm.s32 $0x6500;
	[sflag:s25] =	ssyncadd.s32 $0xFFFFB000  }
0x10a: {  	v1 =	vld [tilespmem:s30+$0x70]  }
0x10b: {  	v2 =	vld [tilespmem:s30+$0xFFFFFF90]  }
0x10c: {  	v3 =	vld [tilespmem:s30+$0xFFFFFFA0]  }
0x10d: {  	v4 =	vld [tilespmem:s30+$0xFFFFFFB0]  }
0x10e: {  	v5 =	vld [tilespmem:s30+$0xFFFFFFC0]  }
0x10f: {  	v6 =	vld [tilespmem:s30+$0xFFFFFFD0];
	v1 =	vperm.xlane v0, v1  }
0x110: {  	s28 =	simm.s32 $0x10500;
	v7 =	vld [tilespmem:s30+$0xFFFFFFE0];
	v2 =	vperm.xlane v0, v2  }
0x111: {  	v8 =	vld [tilespmem:s30+$0xFFFFFFF0];
	v3 =	vperm.xlane v0, v3;
	[tilespmem:s28+$0x70] =	vst v1  }
0x112: {  	[tilespmem:s28+$0xFFFFFF90] =	vst v2;
	v1 =	vperm.xlane v0, v4;
	v4 =	vld [tilespmem:s30+$0x0]  }
0x113: {  	[tilespmem:s28+$0xFFFFFFA0] =	vst v3;
	v2 =	vperm.xlane v0, v5;
	v5 =	vld [tilespmem:s30+$0x10]  }
0x114: {  	v9 =	vld [tilespmem:s30+$0x20];
	v3 =	vperm.xlane v0, v6;
	[tilespmem:s28+$0xFFFFFFB0] =	vst v1  }
0x115: {  	v6 =	vperm.xlane v0, v7;
	[tilespmem:s28+$0xFFFFFFC0] =	vst v2;
	v1 =	vld [tilespmem:s30+$0x30]  }
0x116: {  	v7 =	vperm.xlane v0, v8;
	[tilespmem:s28+$0xFFFFFFD0] =	vst v3;
	v2 =	vld [tilespmem:s30+$0x40]  }
0x117: {  	[tilespmem:s28+$0xFFFFFFE0] =	vst v6;
	v3 =	vld [tilespmem:s30+$0x50];
	v8 =	vperm.xlane v0, v4  }
0x118: {  	[tilespmem:s28+$0xFFFFFFF0] =	vst v7;
	v4 =	vld [tilespmem:s30+$0x60];
	v6 =	vperm.xlane v0, v5  }
0x119: {  	s29 =	simm.s32 $0x0;
	v7 =	vperm.xlane v0, v9;
	v5 =	vld [tilespmem:s30+$0xFFFFFF80];
	s30 =	simm.s32 $0x6600;
	[tilespmem:s28+$0x0] =	vst v8  }
.LBB2_10:
0x11a: {  	v8 =	vld [tilespmem:s30+$0x70];
	s29 =	sadd.s32 $0x10, s29;
	[tilespmem:s28+$0x10] =	vst v6;
	v1 =	vperm.xlane v0, v1  }
0x11b: {  	v6 =	vld [tilespmem:s30+$0xFFFFFF90];
	p0 =	slt.u32 s29, $0x4F0;
	[tilespmem:s28+$0x20] =	vst v7;
	v2 =	vperm.xlane v0, v2  }
0x11c: {  	v7 =	vld [tilespmem:s30+$0xFFFFFFA0];
	[tilespmem:s28+$0x30] =	vst v1;
	v1 =	vperm.xlane v0, v3  }
0x11d: {  	v3 =	vld [tilespmem:s30+$0xFFFFFFB0];
	[tilespmem:s28+$0x40] =	vst v2;
	v2 =	vperm.xlane v0, v4  }
0x11e: {  	v4 =	vld [tilespmem:s30+$0xFFFFFFC0];
	v5 =	vperm.xlane v0, v5;
	[tilespmem:s28+$0x50] =	vst v1  }
0x11f: {  	v1 =	vld [tilespmem:s30+$0xFFFFFFD0];
	v8 =	vperm.xlane v0, v8;
	[tilespmem:s28+$0x60] =	vst v2  }
0x120: {  	v2 =	vperm.xlane v0, v6;
	v6 =	vld [tilespmem:s30+$0xFFFFFFE0];
	[tilespmem:s28+$0xFFFFFF80] =	vst v5;
	s28 =	sadd.s32 $0x100, s28  }
0x121: {  	v5 =	vperm.xlane v0, v7;
	v7 =	vld [tilespmem:s30+$0xFFFFFFF0];
	[tilespmem:s28+$0x70] =	vst v8  }
0x122: {  	[tilespmem:s28+$0xFFFFFF90] =	vst v2;
	v2 =	vperm.xlane v0, v3;
	v3 =	vld [tilespmem:s30+$0x0]  }
0x123: {  	[tilespmem:s28+$0xFFFFFFA0] =	vst v5;
	v4 =	vperm.xlane v0, v4;
	v5 =	vld [tilespmem:s30+$0x10]  }
0x124: {  	[tilespmem:s28+$0xFFFFFFB0] =	vst v2;
	v2 =	vperm.xlane v0, v1;
	v8 =	vld [tilespmem:s30+$0x20]  }
.Ltmp4:
0x125: {  	[tilespmem:s28+$0xFFFFFFC0] =	vst v4;
	v4 =	vperm.xlane v0, v6;
	v1 =	vld [tilespmem:s30+$0x30];
	(pc) =	sbr.rel @p0 .LBB2_10-.Ltmp4, $4  }
0x126: {  	[tilespmem:s28+$0xFFFFFFD0] =	vst v2;
	v6 =	vperm.xlane v0, v7;
	v2 =	vld [tilespmem:s30+$0x40]  }
0x127: {  	[tilespmem:s28+$0xFFFFFFE0] =	vst v4;
	v7 =	vperm.xlane v0, v3;
	v3 =	vld [tilespmem:s30+$0x50]  }
0x128: {  	[tilespmem:s28+$0xFFFFFFF0] =	vst v6;
	v6 =	vperm.xlane v0, v5;
	v4 =	vld [tilespmem:s30+$0x60]  }
0x129: {  	v5 =	vld [tilespmem:s30+$0xFFFFFF80];
	[tilespmem:s28+$0x0] =	vst v7;
	v7 =	vperm.xlane v0, v8;
	s30 =	sadd.s32 $0x100, s30  }
0x12a: {  	[tilespmem:s28+$0x10] =	vst v6;
	v1 =	vperm.xlane v0, v1  }
0x12b: {  	[tilespmem:s28+$0x20] =	vst v7;
	v2 =	vperm.xlane v0, v2  }
0x12c: {  	[tilespmem:s28+$0x30] =	vst v1;
	v1 =	vperm.xlane v0, v3  }
0x12d: {  	[tilespmem:s28+$0x40] =	vst v2;
	v2 =	vperm.xlane v0, v4  }
0x12e: {  	v3 =	vperm.xlane v0, v5;
	[tilespmem:s28+$0x50] =	vst v1  }
0x12f: {  	[tilespmem:s28+$0x60] =	vst v2  }
0x130: {  	[tilespmem:s28+$0xFFFFFF80] =	vst v3  }
0x131: {  	[hbm4b:s13+s3] =	stream.linear.scatter [tilespmem:s23], [sflag:$0x4], $0x5000, $0x38;
	[tilespmem:$0x15480] =	vst v63  }
0x132: {  	_ =	swait.ge [sflag:s20], $0x5000  }
0x133: {  	[sflag:s20] =	ssyncset.done $0x0  }
0x134: {  	[sflag:s20] =	ssyncadd.s32 $0xFFFFB000  }
0x135: {  	_ =	swait.ge [sflag:s24], $0x5000  }
0x136: {  	[sflag:s24] =	ssyncset.done $0x0  }
0x137: {  	s30 =	simm.s32 $0x1500;
	[sflag:s24] =	ssyncadd.s32 $0xFFFFB000  }
0x138: {  	v1 =	vld [tilespmem:s30+$0x70]  }
0x139: {  	v2 =	vld [tilespmem:s30+$0xFFFFFF90]  }
0x13a: {  	v3 =	vld [tilespmem:s30+$0xFFFFFFA0]  }
0x13b: {  	v4 =	vld [tilespmem:s30+$0xFFFFFFB0]  }
0x13c: {  	v5 =	vld [tilespmem:s30+$0xFFFFFFC0]  }
0x13d: {  	v6 =	vld [tilespmem:s30+$0xFFFFFFD0];
	v1 =	vperm.xlane v0, v1  }
0x13e: {  	s28 =	simm.s32 $0xB500;
	v7 =	vld [tilespmem:s30+$0xFFFFFFE0];
	v2 =	vperm.xlane v0, v2  }
0x13f: {  	v8 =	vld [tilespmem:s30+$0xFFFFFFF0];
	v3 =	vperm.xlane v0, v3;
	[tilespmem:s28+$0x70] =	vst v1  }
0x140: {  	[tilespmem:s28+$0xFFFFFF90] =	vst v2;
	v1 =	vperm.xlane v0, v4;
	v4 =	vld [tilespmem:s30+$0x0]  }
0x141: {  	[tilespmem:s28+$0xFFFFFFA0] =	vst v3;
	v2 =	vperm.xlane v0, v5;
	v5 =	vld [tilespmem:s30+$0x10]  }
0x142: {  	v9 =	vld [tilespmem:s30+$0x20];
	v3 =	vperm.xlane v0, v6;
	[tilespmem:s28+$0xFFFFFFB0] =	vst v1  }
0x143: {  	v6 =	vperm.xlane v0, v7;
	[tilespmem:s28+$0xFFFFFFC0] =	vst v2;
	v1 =	vld [tilespmem:s30+$0x30]  }
0x144: {  	v7 =	vperm.xlane v0, v8;
	[tilespmem:s28+$0xFFFFFFD0] =	vst v3;
	v2 =	vld [tilespmem:s30+$0x40]  }
0x145: {  	[tilespmem:s28+$0xFFFFFFE0] =	vst v6;
	v3 =	vld [tilespmem:s30+$0x50];
	v8 =	vperm.xlane v0, v4  }
0x146: {  	[tilespmem:s28+$0xFFFFFFF0] =	vst v7;
	v4 =	vld [tilespmem:s30+$0x60];
	v6 =	vperm.xlane v0, v5  }
0x147: {  	s29 =	simm.s32 $0x0;
	v7 =	vperm.xlane v0, v9;
	v5 =	vld [tilespmem:s30+$0xFFFFFF80];
	s30 =	simm.s32 $0x1600;
	[tilespmem:s28+$0x0] =	vst v8  }
.LBB2_12:
0x148: {  	v8 =	vld [tilespmem:s30+$0x70];
	s29 =	sadd.s32 $0x10, s29;
	[tilespmem:s28+$0x10] =	vst v6;
	v1 =	vperm.xlane v0, v1  }
0x149: {  	v6 =	vld [tilespmem:s30+$0xFFFFFF90];
	p0 =	slt.u32 s29, $0x4F0;
	[tilespmem:s28+$0x20] =	vst v7;
	v2 =	vperm.xlane v0, v2  }
0x14a: {  	v7 =	vld [tilespmem:s30+$0xFFFFFFA0];
	[tilespmem:s28+$0x30] =	vst v1;
	v1 =	vperm.xlane v0, v3  }
0x14b: {  	v3 =	vld [tilespmem:s30+$0xFFFFFFB0];
	[tilespmem:s28+$0x40] =	vst v2;
	v2 =	vperm.xlane v0, v4  }
0x14c: {  	v4 =	vld [tilespmem:s30+$0xFFFFFFC0];
	v5 =	vperm.xlane v0, v5;
	[tilespmem:s28+$0x50] =	vst v1  }
0x14d: {  	v1 =	vld [tilespmem:s30+$0xFFFFFFD0];
	v8 =	vperm.xlane v0, v8;
	[tilespmem:s28+$0x60] =	vst v2  }
0x14e: {  	v2 =	vperm.xlane v0, v6;
	v6 =	vld [tilespmem:s30+$0xFFFFFFE0];
	[tilespmem:s28+$0xFFFFFF80] =	vst v5;
	s28 =	sadd.s32 $0x100, s28  }
0x14f: {  	v5 =	vperm.xlane v0, v7;
	v7 =	vld [tilespmem:s30+$0xFFFFFFF0];
	[tilespmem:s28+$0x70] =	vst v8  }
0x150: {  	[tilespmem:s28+$0xFFFFFF90] =	vst v2;
	v2 =	vperm.xlane v0, v3;
	v3 =	vld [tilespmem:s30+$0x0]  }
0x151: {  	[tilespmem:s28+$0xFFFFFFA0] =	vst v5;
	v4 =	vperm.xlane v0, v4;
	v5 =	vld [tilespmem:s30+$0x10]  }
0x152: {  	[tilespmem:s28+$0xFFFFFFB0] =	vst v2;
	v2 =	vperm.xlane v0, v1;
	v8 =	vld [tilespmem:s30+$0x20]  }
.Ltmp5:
0x153: {  	[tilespmem:s28+$0xFFFFFFC0] =	vst v4;
	v4 =	vperm.xlane v0, v6;
	v1 =	vld [tilespmem:s30+$0x30];
	(pc) =	sbr.rel @p0 .LBB2_12-.Ltmp5, $4  }
0x154: {  	[tilespmem:s28+$0xFFFFFFD0] =	vst v2;
	v6 =	vperm.xlane v0, v7;
	v2 =	vld [tilespmem:s30+$0x40]  }
0x155: {  	[tilespmem:s28+$0xFFFFFFE0] =	vst v4;
	v7 =	vperm.xlane v0, v3;
	v3 =	vld [tilespmem:s30+$0x50]  }
0x156: {  	[tilespmem:s28+$0xFFFFFFF0] =	vst v6;
	v6 =	vperm.xlane v0, v5;
	v4 =	vld [tilespmem:s30+$0x60]  }
0x157: {  	v5 =	vld [tilespmem:s30+$0xFFFFFF80];
	[tilespmem:s28+$0x0] =	vst v7;
	v7 =	vperm.xlane v0, v8;
	s30 =	sadd.s32 $0x100, s30  }
0x158: {  	[tilespmem:s28+$0x10] =	vst v6;
	v1 =	vperm.xlane v0, v1  }
0x159: {  	[tilespmem:s28+$0x20] =	vst v7;
	v2 =	vperm.xlane v0, v2  }
0x15a: {  	[tilespmem:s28+$0x30] =	vst v1;
	v61 =	vperm.xlane v0, v3  }
0x15b: {  	[tilespmem:s28+$0x40] =	vst v2;
	v62 =	vperm.xlane v0, v4  }
0x15c: {  	v63 =	vperm.xlane v0, v5;
	[tilespmem:s28+$0x50] =	vst v61  }
0x15d: {  	[tilespmem:s28+$0x60] =	vst v62  }
0x15e: {  	s26 =	sadd.s32 $0x1, s26;
	[tilespmem:s28+$0xFFFFFF80] =	vst v63  }
0x15f: {  	[hbm4b:s14+s3] =	stream.linear.scatter [tilespmem:s21], [sflag:$0x3], $0x5000, $0x38;
	[tilespmem:$0x15480] =	vst v63  }
0x160: {  	p0 =	sne.s32 s26, s15;
	_ =	swait.ge [sflag:s25], $0x5000  }
.Ltmp6:
0x161: {  	[sflag:s25] =	ssyncset.done $0x0;
	(pc) =	sbr.rel @p0 .LBB2_1-.Ltmp6, $4  }
0x162: {  	[sflag:s25] =	ssyncadd.s32 $0xFFFFB000  }
0x163: {  	_ =	swait.ge [sflag:s24], $0x5000  }
0x164: {  	[sflag:s24] =	ssyncset.done $0x0  }
0x165: {  	[sflag:s24] =	ssyncadd.s32 $0xFFFFB000  }
0x166: {  	_ =	sfence.sel $0x180000  }
0x167: {  	[bflag:$0x0] =	sbarrier.arrive $0xFFFF  }
0x168: {  	p0 =	sne.s32 s0, $0x0;
	_ =	strace $0x90000047  }
0x169: {  	s0 =	sadd.s32 @!p0 $0x100000, s1;
	[bflag:$0x2] =	sbarrier.arrive $0xFFFF  }
0x16a: {  	[sflag:s0] =	ssyncadd.tile.s32 @!p0 $0x1;
	_ =	shalt  }
.Lfunc_end2:
_tile_overlayer_lowered:
.L_overlay_start_2:
0x16b: {  	(tag) =	ssettag $0x2  }
0x16c: {  	s0 =	rddreg [dreg:$0x0];
	s2 =	stileid.u32  }
0x16d: {  	s1 =	rddreg [dreg:$0x1];
	p0 =	sne.s32 s2, $0x0  }
0x16e: {  	s3 =	rddreg [dreg:$0x2];
	[bflag:$0x3] =	sbarrier.arrive $0xFFFF;
	s2 =	simm.s32 @!p0 $0x1C05  }
0x16f: {  	[timem:s3], [sflag:s2] =	dma.local @!p0 [hbm:s0], s1  }
0x170: {  	s0 =	simm.s32 @!p0 $0x5  }
0x171: {  	_ =	swait.ge @!p0 [sflag:s0], s1  }
0x172: {  	s1 =	ssub.s32 @!p0 $0x0, s1;
	[sflag:s0] =	ssyncset.done @!p0 $0x0  }
0x173: {  	[sflag:s0] =	ssyncadd.s32 @!p0 s1  }
0x174: {  	[bflag:$0x3] =	sbarrier.arrive $0xFFFF  }
0x175: {  	_ =	shalt  }

</sc_bundles>
